<compile_context>
chip_gen: v7x
topology: tpu7x:2x2x1
jax: 0.10.2.dev20260603
libtpu: 0.0.44.dev20260713+nightly
codegen_flags: <defaults>
</compile_context>

<pallas_src>
import jax
import jax.numpy as jnp
from jax import lax
from jax.experimental import pallas as pl
from jax.experimental.pallas import tpu as pltpu
from jax.experimental.pallas import tpu_sc as plsc

N = 100000
S = 4
D = 128
B = 512
BLK = 64
NFULL = N // BLK
REM = N - NFULL * BLK
NW = 32
SCAN = 3136
SCAN_LAST = N - (NW - 1) * SCAN


def _sc_body(nd_ref, idx_ref, parts_ref, firsts_ref,
             buf0, buf1, idx0, idx1, idxall, first, idxr,
             sem0, sem1, acc_sh):
    cid = lax.axis_index("c")
    sid = lax.axis_index("s")
    wid = sid * 2 + cid

    zeros16 = jnp.zeros((16,), jnp.float32)
    sent16 = jnp.full((16,), N, jnp.int32)

    def zrow(i, carry):
        for s in range(S):
            for j in range(D // 16):
                buf0[i, s, pl.ds(j * 16, 16)] = zeros16
        first[pl.ds(i * 16, 16)] = sent16
        return carry
    lax.fori_loop(0, 32, zrow, 0)

    acc_rows = pl.ds(sid * 32, 32)
    pltpu.sync_copy(buf0.at[pl.ds(0, 32)], acc_sh.at[acc_rows])
    plsc.subcore_barrier()

    start = wid * SCAN
    idxall[pl.ds(0, 16)] = jnp.full((16,), -1, jnp.int32)

    @pl.when(wid > 0)
    def _():
        pltpu.sync_copy(idx_ref.at[pl.ds(start - 8, 8)], idxall.at[pl.ds(8, 8)])

    @pl.when(wid < NW - 1)
    def _():
        pltpu.sync_copy(idx_ref.at[pl.ds(start, SCAN)],
                        idxall.at[pl.ds(16, SCAN)])

    @pl.when(wid == NW - 1)
    def _():
        pltpu.sync_copy(idx_ref.at[pl.ds(start, SCAN_LAST)],
                        idxall.at[pl.ds(16, SCAN_LAST)])

    nsteps = jnp.where(wid < NW - 1, SCAN // 16, SCAN_LAST // 16)
    lane = lax.iota(jnp.int32, 16)

    _dnums = lax.GatherDimensionNumbers(
        offset_dims=(), collapsed_slice_dims=(0,), start_index_map=(0,))

    def vgather(x, ix):
        return lax.gather(x, ix[:, None], _dnums, (1,),
                          mode=lax.GatherScatterMode.PROMISE_IN_BOUNDS)

    head = idxall[pl.ds(0, 16)]
    last_ix = jnp.full((16,), 15, jnp.int32)
    carry0 = vgather(head, last_ix)
    shift_ix = jnp.maximum(lane - 1, 0)

    def scan_step(t, carry):
        cur = idxall[pl.ds(16 + t * 16, 16)]
        prev_in = vgather(cur, shift_ix)
        prev = jnp.where(lane == 0, carry, prev_in)
        m = cur != prev
        pos = start + t * 16 + lane
        plsc.store_scatter(first, [cur], pos, mask=m)
        return vgather(cur, last_ix)
    lax.fori_loop(0, nsteps, scan_step, carry0)

    nblk = (NFULL - 1 - wid) // NW + 1
    bufs = (buf0, buf1)
    idxs = (idx0, idx1)
    sems = (sem0, sem1)

    def issue(slot, i):
        blk = wid + i * NW
        base = pl.multiple_of(blk * BLK, BLK)
        pltpu.async_copy(nd_ref.at[pl.ds(base, BLK)], bufs[slot], sems[slot])
        pltpu.async_copy(idx_ref.at[pl.ds(base, BLK)], idxs[slot], sems[slot])

    def drain_and_scatter(slot):
        pltpu.make_async_copy(nd_ref.at[pl.ds(0, BLK)], bufs[slot],
                              sems[slot]).wait()
        pltpu.make_async_copy(idx_ref.at[pl.ds(0, BLK)], idxs[slot],
                              sems[slot]).wait()
        pltpu.sync_copy(bufs[slot], acc_sh.at[idxs[slot]], add=True)

    issue(0, 0)

    def step(i, carry):
        for slot in (0, 1):
            @pl.when((i & 1) == slot)
            def _():
                @pl.when(i + 1 < nblk)
                def _():
                    issue(1 - slot, i + 1)
                drain_and_scatter(slot)
        return carry
    lax.fori_loop(0, nblk, step, 0)

    @pl.when(jnp.logical_and(cid == 0, sid == 0))
    def _():
        base = pl.multiple_of(NFULL * BLK, 32)
        pltpu.sync_copy(nd_ref.at[pl.ds(base, REM)], buf0.at[pl.ds(0, REM)])
        pltpu.sync_copy(idx_ref.at[pl.ds(base, REM)], idxr)
        pltpu.sync_copy(buf0.at[pl.ds(0, REM)], acc_sh.at[idxr], add=True)

    plsc.subcore_barrier()

    pltpu.sync_copy(acc_sh.at[acc_rows], parts_ref.at[cid, acc_rows])
    pltpu.sync_copy(first, firsts_ref.at[cid, sid])


def _sc_accumulate(nd, idx):
    run = pl.kernel(
        _sc_body,
        out_type=(
            jax.ShapeDtypeStruct((2, B, S, D), jnp.float32),
            jax.ShapeDtypeStruct((2, 16, B), jnp.int32),
        ),
        mesh=plsc.VectorSubcoreMesh(core_axis_name="c", subcore_axis_name="s"),
        compiler_params=pltpu.CompilerParams(needs_layout_passes=False),
        scratch_types=[
            pltpu.VMEM((BLK, S, D), jnp.float32),
            pltpu.VMEM((BLK, S, D), jnp.float32),
            pltpu.VMEM((BLK,), jnp.int32),
            pltpu.VMEM((BLK,), jnp.int32),
            pltpu.VMEM((16 + SCAN,), jnp.int32),
            pltpu.VMEM((B,), jnp.int32),
            pltpu.VMEM((32,), jnp.int32),
            pltpu.SemaphoreType.DMA,
            pltpu.SemaphoreType.DMA,
            pltpu.VMEM_SHARED((B, S, D), jnp.float32),
        ],
    )
    return run(nd, idx)


def _finalize(parts, firsts):
    def body(parts_ref, firsts_ref, out_ref):
        p = parts_ref[...]
        q = p[0] + p[1]
        acc = q[:, 0, :] + q[:, 1, :] + q[:, 2, :] + q[:, 3, :]

        f = firsts_ref[...].reshape(NW, B)
        F = jnp.min(f, axis=0).reshape(B, 1)
        k = 1
        while k < B:
            shifted = jnp.concatenate(
                [F[k:, :], jnp.full((k, 1), N, jnp.int32)], axis=0)
            F = jnp.minimum(F, shifted)
            k *= 2
        Fnext = jnp.concatenate(
            [F[1:, :], jnp.full((1, 1), N, jnp.int32)], axis=0)
        cnt = (Fnext - F).astype(jnp.float32)
        out_ref[...] = acc * (0.25 / jnp.maximum(cnt, 1.0))

    return pl.pallas_call(
        body,
        out_shape=jax.ShapeDtypeStruct((B, D), jnp.float32),
    )(parts, firsts)


def kernel(node_distributions, batch_idx):
    idx32 = batch_idx.astype(jnp.int32)
    parts, firsts = _sc_accumulate(node_distributions, idx32)
    return _finalize(parts, firsts)

# --- scband reference (transcript-rebuilt; emitter-appended) ---
"""Pipeline reference for scband-regular-pooling-25022479467131 (READ-ONLY COPY).

The authoritative reference and input builder live on the scoring server;
editing this copy changes nothing except your own understanding.
"""

import jax, jax.numpy as jnp
import numpy as np

NUM_GRAPHS = 512

def setup_inputs(seed: int = 0) -> dict:
    key = jax.random.key(seed)
    k1, k2 = jax.random.split(key)
    node_distributions = jax.random.normal(k1, (100000, 4, 128), dtype=jnp.float32)
    batch_idx = jnp.sort(jax.random.randint(k2, (100000,), 0, NUM_GRAPHS, dtype=jnp.int64))
    return {"node_distributions": node_distributions, "batch_idx": batch_idx}

def reference(node_distributions, batch_idx):
    # node_distributions: [N, S, d]; batch_idx: [N]
    node_embeddings = jnp.mean(node_distributions, axis=1)  # [N, d]
    # global_mean_pool: segment sum divided by per-segment counts
    sums = jax.ops.segment_sum(node_embeddings, batch_idx, num_segments=NUM_GRAPHS)  # [B, d]
    counts = jax.ops.segment_sum(jnp.ones((node_embeddings.shape[0],), dtype=node_embeddings.dtype), batch_idx, num_segments=NUM_GRAPHS)  # [B]
    counts = jnp.maximum(counts, 1.0)
    graph_embeddings = sums / counts[:, None]
    return graph_embeddings

if __name__ == "__main__":
    import jax
    _d = setup_inputs()
    print(jax.jit(kernel)(*tuple(_d.values())))

</pallas_src>

<mosaic_0001>
#map = affine_map<(d0, d1) -> (0, 0, 0)>
#map1 = affine_map<(d0, d1) -> (0)>
#map2 = affine_map<(d0, d1) -> (0, 0, 0, 0)>
module attributes {stable_mosaic.version = 14 : i64} {
  func.func @_sc_body(%arg0: i32, %arg1: i32, %arg2: memref<100000x4x128xf32, #tpu.memory_space<hbm>>, %arg3: memref<100000xi32, #tpu.memory_space<hbm>>, %arg4: memref<2x512x4x128xf32, #tpu.memory_space<hbm>>, %arg5: memref<2x16x512xi32, #tpu.memory_space<hbm>>, %arg6: memref<64x4x128xf32, #tpu.memory_space<vmem>>, %arg7: memref<64x4x128xf32, #tpu.memory_space<vmem>>, %arg8: memref<64xi32, #tpu.memory_space<vmem>>, %arg9: memref<64xi32, #tpu.memory_space<vmem>>, %arg10: memref<3152xi32, #tpu.memory_space<vmem>>, %arg11: memref<512xi32, #tpu.memory_space<vmem>>, %arg12: memref<32xi32, #tpu.memory_space<vmem>>, %arg13: memref<!tpu.dma_semaphore, #tpu.memory_space<semaphore_mem>>, %arg14: memref<!tpu.dma_semaphore, #tpu.memory_space<semaphore_mem>>, %arg15: memref<512x4x128xf32, #tpu.memory_space<vmem_shared>>) attributes {dimension_semantics = [#tpu.dimension_semantics<core_parallel>, #tpu.dimension_semantics<subcore_parallel>], iteration_bounds = array<i64: 2, 16>, scalar_prefetch = 0 : i64, scratch_operands = 10 : i64, tpu.core_type = #tpu.core_type<sc_vector_subcore>, window_params = [{transform_indices = #map}, {transform_indices = #map1}, {transform_indices = #map2}, {transform_indices = #map}]} {
    %mul3A = arith.constant 2 : i32
    %mul3A_0 = arith.muli %arg1, %mul3A : i32
    %add3A = arith.addi %mul3A_0, %arg0 : i32
    %broadcast_in_dim3A = arith.constant 0.000000e+00 : f32
    %broadcast_in_dim3A_1 = vector.broadcast %broadcast_in_dim3A : f32 to vector<16xf32>
    %broadcast_in_dim3A_2 = arith.constant 100000 : i32
    %broadcast_in_dim3A_3 = vector.broadcast %broadcast_in_dim3A_2 : i32 to vector<16xi32>
    %scan3A = arith.constant 0 : i32
    %scan3A_4 = arith.constant 0 : i32
    %scan3A_5 = arith.constant 32 : i32
    %scan3A_6 = arith.addi %scan3A_4, %scan3A_5 : i32
    %scan3A_7 = arith.constant 1 : i32
    scf.for %scan3A_101 = %scan3A_4 to %scan3A_6 step %scan3A_7  : i32 {
      %swap3A_102 = arith.constant 0 : i32
      %swap3A_103 = arith.index_cast %scan3A_101 : i32 to index
      %swap3A_104 = arith.index_cast %swap3A_102 : i32 to index
      %swap3A_105 = arith.constant 0 : index
      %swap3A_106 = tpu.vector_load %arg6[%swap3A_103, %swap3A_104, %swap3A_105] {strides = array<i32>} : memref<64x4x128xf32, #tpu.memory_space<vmem>>, vector<16xf32>,
      tpu.vector_store %arg6[%swap3A_103, %swap3A_104, %swap3A_105], %broadcast_in_dim3A_1 {strides = array<i32>} : memref<64x4x128xf32, #tpu.memory_space<vmem>>, vector<16xf32>,
      %swap3A_107 = arith.constant 0 : i32
      %swap3A_108 = arith.index_cast %scan3A_101 : i32 to index
      %swap3A_109 = arith.index_cast %swap3A_107 : i32 to index
      %swap3A_110 = arith.constant 16 : index
      %swap3A_111 = tpu.vector_load %arg6[%swap3A_108, %swap3A_109, %swap3A_110] {strides = array<i32>} : memref<64x4x128xf32, #tpu.memory_space<vmem>>, vector<16xf32>,
      tpu.vector_store %arg6[%swap3A_108, %swap3A_109, %swap3A_110], %broadcast_in_dim3A_1 {strides = array<i32>} : memref<64x4x128xf32, #tpu.memory_space<vmem>>, vector<16xf32>,
      %swap3A_112 = arith.constant 0 : i32
      %swap3A_113 = arith.index_cast %scan3A_101 : i32 to index
      %swap3A_114 = arith.index_cast %swap3A_112 : i32 to index
      %swap3A_115 = arith.constant 32 : index
      %swap3A_116 = tpu.vector_load %arg6[%swap3A_113, %swap3A_114, %swap3A_115] {strides = array<i32>} : memref<64x4x128xf32, #tpu.memory_space<vmem>>, vector<16xf32>,
      tpu.vector_store %arg6[%swap3A_113, %swap3A_114, %swap3A_115], %broadcast_in_dim3A_1 {strides = array<i32>} : memref<64x4x128xf32, #tpu.memory_space<vmem>>, vector<16xf32>,
      %swap3A_117 = arith.constant 0 : i32
      %swap3A_118 = arith.index_cast %scan3A_101 : i32 to index
      %swap3A_119 = arith.index_cast %swap3A_117 : i32 to index
      %swap3A_120 = arith.constant 48 : index
      %swap3A_121 = tpu.vector_load %arg6[%swap3A_118, %swap3A_119, %swap3A_120] {strides = array<i32>} : memref<64x4x128xf32, #tpu.memory_space<vmem>>, vector<16xf32>,
      tpu.vector_store %arg6[%swap3A_118, %swap3A_119, %swap3A_120], %broadcast_in_dim3A_1 {strides = array<i32>} : memref<64x4x128xf32, #tpu.memory_space<vmem>>, vector<16xf32>,
      %swap3A_122 = arith.constant 0 : i32
      %swap3A_123 = arith.index_cast %scan3A_101 : i32 to index
      %swap3A_124 = arith.index_cast %swap3A_122 : i32 to index
      %swap3A_125 = arith.constant 64 : index
      %swap3A_126 = tpu.vector_load %arg6[%swap3A_123, %swap3A_124, %swap3A_125] {strides = array<i32>} : memref<64x4x128xf32, #tpu.memory_space<vmem>>, vector<16xf32>,
      tpu.vector_store %arg6[%swap3A_123, %swap3A_124, %swap3A_125], %broadcast_in_dim3A_1 {strides = array<i32>} : memref<64x4x128xf32, #tpu.memory_space<vmem>>, vector<16xf32>,
      %swap3A_127 = arith.constant 0 : i32
      %swap3A_128 = arith.index_cast %scan3A_101 : i32 to index
      %swap3A_129 = arith.index_cast %swap3A_127 : i32 to index
      %swap3A_130 = arith.constant 80 : index
      %swap3A_131 = tpu.vector_load %arg6[%swap3A_128, %swap3A_129, %swap3A_130] {strides = array<i32>} : memref<64x4x128xf32, #tpu.memory_space<vmem>>, vector<16xf32>,
      tpu.vector_store %arg6[%swap3A_128, %swap3A_129, %swap3A_130], %broadcast_in_dim3A_1 {strides = array<i32>} : memref<64x4x128xf32, #tpu.memory_space<vmem>>, vector<16xf32>,
      %swap3A_132 = arith.constant 0 : i32
      %swap3A_133 = arith.index_cast %scan3A_101 : i32 to index
      %swap3A_134 = arith.index_cast %swap3A_132 : i32 to index
      %swap3A_135 = arith.constant 96 : index
      %swap3A_136 = tpu.vector_load %arg6[%swap3A_133, %swap3A_134, %swap3A_135] {strides = array<i32>} : memref<64x4x128xf32, #tpu.memory_space<vmem>>, vector<16xf32>,
      tpu.vector_store %arg6[%swap3A_133, %swap3A_134, %swap3A_135], %broadcast_in_dim3A_1 {strides = array<i32>} : memref<64x4x128xf32, #tpu.memory_space<vmem>>, vector<16xf32>,
      %swap3A_137 = arith.constant 0 : i32
      %swap3A_138 = arith.index_cast %scan3A_101 : i32 to index
      %swap3A_139 = arith.index_cast %swap3A_137 : i32 to index
      %swap3A_140 = arith.constant 112 : index
      %swap3A_141 = tpu.vector_load %arg6[%swap3A_138, %swap3A_139, %swap3A_140] {strides = array<i32>} : memref<64x4x128xf32, #tpu.memory_space<vmem>>, vector<16xf32>,
      tpu.vector_store %arg6[%swap3A_138, %swap3A_139, %swap3A_140], %broadcast_in_dim3A_1 {strides = array<i32>} : memref<64x4x128xf32, #tpu.memory_space<vmem>>, vector<16xf32>,
      %swap3A_142 = arith.constant 1 : i32
      %swap3A_143 = arith.index_cast %scan3A_101 : i32 to index
      %swap3A_144 = arith.index_cast %swap3A_142 : i32 to index
      %swap3A_145 = arith.constant 0 : index
      %swap3A_146 = tpu.vector_load %arg6[%swap3A_143, %swap3A_144, %swap3A_145] {strides = array<i32>} : memref<64x4x128xf32, #tpu.memory_space<vmem>>, vector<16xf32>,
      tpu.vector_store %arg6[%swap3A_143, %swap3A_144, %swap3A_145], %broadcast_in_dim3A_1 {strides = array<i32>} : memref<64x4x128xf32, #tpu.memory_space<vmem>>, vector<16xf32>,
      %swap3A_147 = arith.constant 1 : i32
      %swap3A_148 = arith.index_cast %scan3A_101 : i32 to index
      %swap3A_149 = arith.index_cast %swap3A_147 : i32 to index
      %swap3A_150 = arith.constant 16 : index
      %swap3A_151 = tpu.vector_load %arg6[%swap3A_148, %swap3A_149, %swap3A_150] {strides = array<i32>} : memref<64x4x128xf32, #tpu.memory_space<vmem>>, vector<16xf32>,
      tpu.vector_store %arg6[%swap3A_148, %swap3A_149, %swap3A_150], %broadcast_in_dim3A_1 {strides = array<i32>} : memref<64x4x128xf32, #tpu.memory_space<vmem>>, vector<16xf32>,
      %swap3A_152 = arith.constant 1 : i32
      %swap3A_153 = arith.index_cast %scan3A_101 : i32 to index
      %swap3A_154 = arith.index_cast %swap3A_152 : i32 to index
      %swap3A_155 = arith.constant 32 : index
      %swap3A_156 = tpu.vector_load %arg6[%swap3A_153, %swap3A_154, %swap3A_155] {strides = array<i32>} : memref<64x4x128xf32, #tpu.memory_space<vmem>>, vector<16xf32>,
      tpu.vector_store %arg6[%swap3A_153, %swap3A_154, %swap3A_155], %broadcast_in_dim3A_1 {strides = array<i32>} : memref<64x4x128xf32, #tpu.memory_space<vmem>>, vector<16xf32>,
      %swap3A_157 = arith.constant 1 : i32
      %swap3A_158 = arith.index_cast %scan3A_101 : i32 to index
      %swap3A_159 = arith.index_cast %swap3A_157 : i32 to index
      %swap3A_160 = arith.constant 48 : index
      %swap3A_161 = tpu.vector_load %arg6[%swap3A_158, %swap3A_159, %swap3A_160] {strides = array<i32>} : memref<64x4x128xf32, #tpu.memory_space<vmem>>, vector<16xf32>,
      tpu.vector_store %arg6[%swap3A_158, %swap3A_159, %swap3A_160], %broadcast_in_dim3A_1 {strides = array<i32>} : memref<64x4x128xf32, #tpu.memory_space<vmem>>, vector<16xf32>,
      %swap3A_162 = arith.constant 1 : i32
      %swap3A_163 = arith.index_cast %scan3A_101 : i32 to index
      %swap3A_164 = arith.index_cast %swap3A_162 : i32 to index
      %swap3A_165 = arith.constant 64 : index
      %swap3A_166 = tpu.vector_load %arg6[%swap3A_163, %swap3A_164, %swap3A_165] {strides = array<i32>} : memref<64x4x128xf32, #tpu.memory_space<vmem>>, vector<16xf32>,
      tpu.vector_store %arg6[%swap3A_163, %swap3A_164, %swap3A_165], %broadcast_in_dim3A_1 {strides = array<i32>} : memref<64x4x128xf32, #tpu.memory_space<vmem>>, vector<16xf32>,
      %swap3A_167 = arith.constant 1 : i32
      %swap3A_168 = arith.index_cast %scan3A_101 : i32 to index
      %swap3A_169 = arith.index_cast %swap3A_167 : i32 to index
      %swap3A_170 = arith.constant 80 : index
      %swap3A_171 = tpu.vector_load %arg6[%swap3A_168, %swap3A_169, %swap3A_170] {strides = array<i32>} : memref<64x4x128xf32, #tpu.memory_space<vmem>>, vector<16xf32>,
      tpu.vector_store %arg6[%swap3A_168, %swap3A_169, %swap3A_170], %broadcast_in_dim3A_1 {strides = array<i32>} : memref<64x4x128xf32, #tpu.memory_space<vmem>>, vector<16xf32>,
      %swap3A_172 = arith.constant 1 : i32
      %swap3A_173 = arith.index_cast %scan3A_101 : i32 to index
      %swap3A_174 = arith.index_cast %swap3A_172 : i32 to index
      %swap3A_175 = arith.constant 96 : index
      %swap3A_176 = tpu.vector_load %arg6[%swap3A_173, %swap3A_174, %swap3A_175] {strides = array<i32>} : memref<64x4x128xf32, #tpu.memory_space<vmem>>, vector<16xf32>,
      tpu.vector_store %arg6[%swap3A_173, %swap3A_174, %swap3A_175], %broadcast_in_dim3A_1 {strides = array<i32>} : memref<64x4x128xf32, #tpu.memory_space<vmem>>, vector<16xf32>,
      %swap3A_177 = arith.constant 1 : i32
      %swap3A_178 = arith.index_cast %scan3A_101 : i32 to index
      %swap3A_179 = arith.index_cast %swap3A_177 : i32 to index
      %swap3A_180 = arith.constant 112 : index
      %swap3A_181 = tpu.vector_load %arg6[%swap3A_178, %swap3A_179, %swap3A_180] {strides = array<i32>} : memref<64x4x128xf32, #tpu.memory_space<vmem>>, vector<16xf32>,
      tpu.vector_store %arg6[%swap3A_178, %swap3A_179, %swap3A_180], %broadcast_in_dim3A_1 {strides = array<i32>} : memref<64x4x128xf32, #tpu.memory_space<vmem>>, vector<16xf32>,
      %swap3A_182 = arith.constant 2 : i32
      %swap3A_183 = arith.index_cast %scan3A_101 : i32 to index
      %swap3A_184 = arith.index_cast %swap3A_182 : i32 to index
      %swap3A_185 = arith.constant 0 : index
      %swap3A_186 = tpu.vector_load %arg6[%swap3A_183, %swap3A_184, %swap3A_185] {strides = array<i32>} : memref<64x4x128xf32, #tpu.memory_space<vmem>>, vector<16xf32>,
      tpu.vector_store %arg6[%swap3A_183, %swap3A_184, %swap3A_185], %broadcast_in_dim3A_1 {strides = array<i32>} : memref<64x4x128xf32, #tpu.memory_space<vmem>>, vector<16xf32>,
      %swap3A_187 = arith.constant 2 : i32
      %swap3A_188 = arith.index_cast %scan3A_101 : i32 to index
      %swap3A_189 = arith.index_cast %swap3A_187 : i32 to index
      %swap3A_190 = arith.constant 16 : index
      %swap3A_191 = tpu.vector_load %arg6[%swap3A_188, %swap3A_189, %swap3A_190] {strides = array<i32>} : memref<64x4x128xf32, #tpu.memory_space<vmem>>, vector<16xf32>,
      tpu.vector_store %arg6[%swap3A_188, %swap3A_189, %swap3A_190], %broadcast_in_dim3A_1 {strides = array<i32>} : memref<64x4x128xf32, #tpu.memory_space<vmem>>, vector<16xf32>,
      %swap3A_192 = arith.constant 2 : i32
      %swap3A_193 = arith.index_cast %scan3A_101 : i32 to index
      %swap3A_194 = arith.index_cast %swap3A_192 : i32 to index
      %swap3A_195 = arith.constant 32 : index
      %swap3A_196 = tpu.vector_load %arg6[%swap3A_193, %swap3A_194, %swap3A_195] {strides = array<i32>} : memref<64x4x128xf32, #tpu.memory_space<vmem>>, vector<16xf32>,
      tpu.vector_store %arg6[%swap3A_193, %swap3A_194, %swap3A_195], %broadcast_in_dim3A_1 {strides = array<i32>} : memref<64x4x128xf32, #tpu.memory_space<vmem>>, vector<16xf32>,
      %swap3A_197 = arith.constant 2 : i32
      %swap3A_198 = arith.index_cast %scan3A_101 : i32 to index
      %swap3A_199 = arith.index_cast %swap3A_197 : i32 to index
      %swap3A_200 = arith.constant 48 : index
      %swap3A_201 = tpu.vector_load %arg6[%swap3A_198, %swap3A_199, %swap3A_200] {strides = array<i32>} : memref<64x4x128xf32, #tpu.memory_space<vmem>>, vector<16xf32>,
      tpu.vector_store %arg6[%swap3A_198, %swap3A_199, %swap3A_200], %broadcast_in_dim3A_1 {strides = array<i32>} : memref<64x4x128xf32, #tpu.memory_space<vmem>>, vector<16xf32>,
      %swap3A_202 = arith.constant 2 : i32
      %swap3A_203 = arith.index_cast %scan3A_101 : i32 to index
      %swap3A_204 = arith.index_cast %swap3A_202 : i32 to index
      %swap3A_205 = arith.constant 64 : index
      %swap3A_206 = tpu.vector_load %arg6[%swap3A_203, %swap3A_204, %swap3A_205] {strides = array<i32>} : memref<64x4x128xf32, #tpu.memory_space<vmem>>, vector<16xf32>,
      tpu.vector_store %arg6[%swap3A_203, %swap3A_204, %swap3A_205], %broadcast_in_dim3A_1 {strides = array<i32>} : memref<64x4x128xf32, #tpu.memory_space<vmem>>, vector<16xf32>,
      %swap3A_207 = arith.constant 2 : i32
      %swap3A_208 = arith.index_cast %scan3A_101 : i32 to index
      %swap3A_209 = arith.index_cast %swap3A_207 : i32 to index
      %swap3A_210 = arith.constant 80 : index
      %swap3A_211 = tpu.vector_load %arg6[%swap3A_208, %swap3A_209, %swap3A_210] {strides = array<i32>} : memref<64x4x128xf32, #tpu.memory_space<vmem>>, vector<16xf32>,
      tpu.vector_store %arg6[%swap3A_208, %swap3A_209, %swap3A_210], %broadcast_in_dim3A_1 {strides = array<i32>} : memref<64x4x128xf32, #tpu.memory_space<vmem>>, vector<16xf32>,
      %swap3A_212 = arith.constant 2 : i32
      %swap3A_213 = arith.index_cast %scan3A_101 : i32 to index
      %swap3A_214 = arith.index_cast %swap3A_212 : i32 to index
      %swap3A_215 = arith.constant 96 : index
      %swap3A_216 = tpu.vector_load %arg6[%swap3A_213, %swap3A_214, %swap3A_215] {strides = array<i32>} : memref<64x4x128xf32, #tpu.memory_space<vmem>>, vector<16xf32>,
      tpu.vector_store %arg6[%swap3A_213, %swap3A_214, %swap3A_215], %broadcast_in_dim3A_1 {strides = array<i32>} : memref<64x4x128xf32, #tpu.memory_space<vmem>>, vector<16xf32>,
      %swap3A_217 = arith.constant 2 : i32
      %swap3A_218 = arith.index_cast %scan3A_101 : i32 to index
      %swap3A_219 = arith.index_cast %swap3A_217 : i32 to index
      %swap3A_220 = arith.constant 112 : index
      %swap3A_221 = tpu.vector_load %arg6[%swap3A_218, %swap3A_219, %swap3A_220] {strides = array<i32>} : memref<64x4x128xf32, #tpu.memory_space<vmem>>, vector<16xf32>,
      tpu.vector_store %arg6[%swap3A_218, %swap3A_219, %swap3A_220], %broadcast_in_dim3A_1 {strides = array<i32>} : memref<64x4x128xf32, #tpu.memory_space<vmem>>, vector<16xf32>,
      %swap3A_222 = arith.constant 3 : i32
      %swap3A_223 = arith.index_cast %scan3A_101 : i32 to index
      %swap3A_224 = arith.index_cast %swap3A_222 : i32 to index
      %swap3A_225 = arith.constant 0 : index
      %swap3A_226 = tpu.vector_load %arg6[%swap3A_223, %swap3A_224, %swap3A_225] {strides = array<i32>} : memref<64x4x128xf32, #tpu.memory_space<vmem>>, vector<16xf32>,
      tpu.vector_store %arg6[%swap3A_223, %swap3A_224, %swap3A_225], %broadcast_in_dim3A_1 {strides = array<i32>} : memref<64x4x128xf32, #tpu.memory_space<vmem>>, vector<16xf32>,
      %swap3A_227 = arith.constant 3 : i32
      %swap3A_228 = arith.index_cast %scan3A_101 : i32 to index
      %swap3A_229 = arith.index_cast %swap3A_227 : i32 to index
      %swap3A_230 = arith.constant 16 : index
      %swap3A_231 = tpu.vector_load %arg6[%swap3A_228, %swap3A_229, %swap3A_230] {strides = array<i32>} : memref<64x4x128xf32, #tpu.memory_space<vmem>>, vector<16xf32>,
      tpu.vector_store %arg6[%swap3A_228, %swap3A_229, %swap3A_230], %broadcast_in_dim3A_1 {strides = array<i32>} : memref<64x4x128xf32, #tpu.memory_space<vmem>>, vector<16xf32>,
      %swap3A_232 = arith.constant 3 : i32
      %swap3A_233 = arith.index_cast %scan3A_101 : i32 to index
      %swap3A_234 = arith.index_cast %swap3A_232 : i32 to index
      %swap3A_235 = arith.constant 32 : index
      %swap3A_236 = tpu.vector_load %arg6[%swap3A_233, %swap3A_234, %swap3A_235] {strides = array<i32>} : memref<64x4x128xf32, #tpu.memory_space<vmem>>, vector<16xf32>,
      tpu.vector_store %arg6[%swap3A_233, %swap3A_234, %swap3A_235], %broadcast_in_dim3A_1 {strides = array<i32>} : memref<64x4x128xf32, #tpu.memory_space<vmem>>, vector<16xf32>,
      %swap3A_237 = arith.constant 3 : i32
      %swap3A_238 = arith.index_cast %scan3A_101 : i32 to index
      %swap3A_239 = arith.index_cast %swap3A_237 : i32 to index
      %swap3A_240 = arith.constant 48 : index
      %swap3A_241 = tpu.vector_load %arg6[%swap3A_238, %swap3A_239, %swap3A_240] {strides = array<i32>} : memref<64x4x128xf32, #tpu.memory_space<vmem>>, vector<16xf32>,
      tpu.vector_store %arg6[%swap3A_238, %swap3A_239, %swap3A_240], %broadcast_in_dim3A_1 {strides = array<i32>} : memref<64x4x128xf32, #tpu.memory_space<vmem>>, vector<16xf32>,
      %swap3A_242 = arith.constant 3 : i32
      %swap3A_243 = arith.index_cast %scan3A_101 : i32 to index
      %swap3A_244 = arith.index_cast %swap3A_242 : i32 to index
      %swap3A_245 = arith.constant 64 : index
      %swap3A_246 = tpu.vector_load %arg6[%swap3A_243, %swap3A_244, %swap3A_245] {strides = array<i32>} : memref<64x4x128xf32, #tpu.memory_space<vmem>>, vector<16xf32>,
      tpu.vector_store %arg6[%swap3A_243, %swap3A_244, %swap3A_245], %broadcast_in_dim3A_1 {strides = array<i32>} : memref<64x4x128xf32, #tpu.memory_space<vmem>>, vector<16xf32>,
      %swap3A_247 = arith.constant 3 : i32
      %swap3A_248 = arith.index_cast %scan3A_101 : i32 to index
      %swap3A_249 = arith.index_cast %swap3A_247 : i32 to index
      %swap3A_250 = arith.constant 80 : index
      %swap3A_251 = tpu.vector_load %arg6[%swap3A_248, %swap3A_249, %swap3A_250] {strides = array<i32>} : memref<64x4x128xf32, #tpu.memory_space<vmem>>, vector<16xf32>,
      tpu.vector_store %arg6[%swap3A_248, %swap3A_249, %swap3A_250], %broadcast_in_dim3A_1 {strides = array<i32>} : memref<64x4x128xf32, #tpu.memory_space<vmem>>, vector<16xf32>,
      %swap3A_252 = arith.constant 3 : i32
      %swap3A_253 = arith.index_cast %scan3A_101 : i32 to index
      %swap3A_254 = arith.index_cast %swap3A_252 : i32 to index
      %swap3A_255 = arith.constant 96 : index
      %swap3A_256 = tpu.vector_load %arg6[%swap3A_253, %swap3A_254, %swap3A_255] {strides = array<i32>} : memref<64x4x128xf32, #tpu.memory_space<vmem>>, vector<16xf32>,
      tpu.vector_store %arg6[%swap3A_253, %swap3A_254, %swap3A_255], %broadcast_in_dim3A_1 {strides = array<i32>} : memref<64x4x128xf32, #tpu.memory_space<vmem>>, vector<16xf32>,
      %swap3A_257 = arith.constant 3 : i32
      %swap3A_258 = arith.index_cast %scan3A_101 : i32 to index
      %swap3A_259 = arith.index_cast %swap3A_257 : i32 to index
      %swap3A_260 = arith.constant 112 : index
      %swap3A_261 = tpu.vector_load %arg6[%swap3A_258, %swap3A_259, %swap3A_260] {strides = array<i32>} : memref<64x4x128xf32, #tpu.memory_space<vmem>>, vector<16xf32>,
      tpu.vector_store %arg6[%swap3A_258, %swap3A_259, %swap3A_260], %broadcast_in_dim3A_1 {strides = array<i32>} : memref<64x4x128xf32, #tpu.memory_space<vmem>>, vector<16xf32>,
      %mul3A_262 = arith.constant 16 : i32
      %mul3A_263 = arith.muli %scan3A_101, %mul3A_262 : i32
      %swap3A_264 = arith.index_cast %mul3A_263 : i32 to index
      %swap3A_265 = tpu.vector_load %arg11[%swap3A_264] {strides = array<i32>} : memref<512xi32, #tpu.memory_space<vmem>>, vector<16xi32>,
      tpu.vector_store %arg11[%swap3A_264], %broadcast_in_dim3A_3 {strides = array<i32>} : memref<512xi32, #tpu.memory_space<vmem>>, vector<16xi32>,
    }
    %scan3A_8 = arith.constant 32 : i32
    %mul3A_9 = arith.constant 32 : i32
    %mul3A_10 = arith.muli %arg1, %mul3A_9 : i32
    "tpu.region"() ({
      %run_scoped3A = tpu.sem_alloc : memref<!tpu.dma_semaphore, #tpu.memory_space<semaphore_mem>>
      %dma_start3A_101 = arith.constant 0 : i32
      %dma_start3A_102 = arith.constant 0 : i32
      %dma_start3A_103 = arith.constant 0 : i32
      %dma_start3A_104 = tpu.memref_slice %arg6[%dma_start3A_101, %dma_start3A_102, %dma_start3A_103] : memref<64x4x128xf32, #tpu.memory_space<vmem>> -> memref<32x4x128xf32, #tpu.memory_space<vmem>>
      %dma_start3A_105 = arith.constant 0 : i32
      %dma_start3A_106 = arith.constant 0 : i32
      %dma_start3A_107 = tpu.memref_slice %arg15[%mul3A_10, %dma_start3A_105, %dma_start3A_106] : memref<512x4x128xf32, #tpu.memory_space<vmem_shared>> -> memref<32x4x128xf32, #tpu.memory_space<vmem_shared>>
      %dma_start3A_108 = arith.constant 0 : i32
      %dma_start3A_109 = arith.constant 0 : i32
      %dma_start3A_110 = tpu.memref_slice %arg15[%mul3A_10, %dma_start3A_108, %dma_start3A_109] : memref<512x4x128xf32, #tpu.memory_space<vmem_shared>> -> memref<32x4x128xf32, #tpu.memory_space<vmem_shared>>
      %dma_start3A_111 = arith.constant 0 : i32
      %dma_start3A_112 = arith.constant 0 : i32
      %dma_start3A_113 = arith.constant 0 : i32
      %dma_start3A_114 = tpu.memref_slice %arg6[%dma_start3A_111, %dma_start3A_112, %dma_start3A_113] : memref<64x4x128xf32, #tpu.memory_space<vmem>> -> memref<32x4x128xf32, #tpu.memory_space<vmem>>
      tpu.enqueue_dma source(%dma_start3A_114 : memref<32x4x128xf32, #tpu.memory_space<vmem>>) target(%dma_start3A_110 : memref<32x4x128xf32, #tpu.memory_space<vmem_shared>>) target_semaphore(%run_scoped3A : memref<!tpu.dma_semaphore, #tpu.memory_space<semaphore_mem>>)
      %dma_wait3A = arith.constant 0 : i32
      %dma_wait3A_115 = arith.constant 0 : i32
      %dma_wait3A_116 = arith.constant 0 : i32
      %dma_wait3A_117 = tpu.memref_slice %arg6[%dma_wait3A, %dma_wait3A_115, %dma_wait3A_116] : memref<64x4x128xf32, #tpu.memory_space<vmem>> -> memref<32x4x128xf32, #tpu.memory_space<vmem>>
      %dma_wait3A_118 = arith.constant 0 : i32
      %dma_wait3A_119 = arith.constant 0 : i32
      %dma_wait3A_120 = tpu.memref_slice %arg15[%mul3A_10, %dma_wait3A_118, %dma_wait3A_119] : memref<512x4x128xf32, #tpu.memory_space<vmem_shared>> -> memref<32x4x128xf32, #tpu.memory_space<vmem_shared>>
      %dma_wait3A_121 = arith.constant 0 : i32
      %dma_wait3A_122 = arith.constant 0 : i32
      %dma_wait3A_123 = tpu.memref_slice %arg15[%mul3A_10, %dma_wait3A_121, %dma_wait3A_122] : memref<512x4x128xf32, #tpu.memory_space<vmem_shared>> -> memref<32x4x128xf32, #tpu.memory_space<vmem_shared>>
      %dma_wait3A_124 = arith.constant 0 : i32
      %dma_wait3A_125 = arith.constant 0 : i32
      %dma_wait3A_126 = arith.constant 0 : i32
      %dma_wait3A_127 = tpu.memref_slice %arg6[%dma_wait3A_124, %dma_wait3A_125, %dma_wait3A_126] : memref<64x4x128xf32, #tpu.memory_space<vmem>> -> memref<32x4x128xf32, #tpu.memory_space<vmem>>
      tpu.wait_dma2 semaphore(%run_scoped3A : memref<!tpu.dma_semaphore, #tpu.memory_space<semaphore_mem>>) src(%dma_wait3A_127 : memref<32x4x128xf32, #tpu.memory_space<vmem>>) dst(%dma_wait3A_123 : memref<32x4x128xf32, #tpu.memory_space<vmem_shared>>)
      tpu.yield
    }) : () -> ()
    %barrier3A = arith.constant 0 : index
    tpu.barrier barrier_id(%barrier3A)
    %mul3A_11 = arith.constant 3136 : i32
    %mul3A_12 = arith.muli %add3A, %mul3A_11 : i32
    %broadcast_in_dim3A_13 = arith.constant -1 : i32
    %broadcast_in_dim3A_14 = vector.broadcast %broadcast_in_dim3A_13 : i32 to vector<16xi32>
    %swap3A = arith.constant 0 : index
    %swap3A_15 = tpu.vector_load %arg10[%swap3A] {strides = array<i32>} : memref<3152xi32, #tpu.memory_space<vmem>>, vector<16xi32>,
    tpu.vector_store %arg10[%swap3A], %broadcast_in_dim3A_14 {strides = array<i32>} : memref<3152xi32, #tpu.memory_space<vmem>>, vector<16xi32>,
    %gt3A = arith.constant 0 : i32
    %gt3A_16 = arith.cmpi sgt, %add3A, %gt3A : i32
    %convert_element_type3A = arith.extui %gt3A_16 : i1 to i32
    %cond3A = arith.constant 0 : i32
    %cond3A_17 = arith.cmpi ne, %convert_element_type3A, %cond3A : i32
    scf.if %cond3A_17 {
      %sub3A_101 = arith.constant 8 : i32
      %sub3A_102 = arith.subi %mul3A_12, %sub3A_101 : i32
      "tpu.region"() ({
        %run_scoped3A = tpu.sem_alloc : memref<!tpu.dma_semaphore, #tpu.memory_space<semaphore_mem>>
        %dma_start3A_103 = arith.constant 8 : i32
        %dma_start3A_104 = tpu.memref_slice %arg10[%dma_start3A_103] : memref<3152xi32, #tpu.memory_space<vmem>> -> memref<8xi32, #tpu.memory_space<vmem>>
        %dma_start3A_105 = tpu.memref_slice %arg3[%sub3A_102] : memref<100000xi32, #tpu.memory_space<hbm>> -> memref<8xi32, #tpu.memory_space<hbm>>
        %dma_start3A_106 = arith.constant 8 : i32
        %dma_start3A_107 = tpu.memref_slice %arg10[%dma_start3A_106] : memref<3152xi32, #tpu.memory_space<vmem>> -> memref<8xi32, #tpu.memory_space<vmem>>
        %dma_start3A_108 = tpu.memref_slice %arg3[%sub3A_102] : memref<100000xi32, #tpu.memory_space<hbm>> -> memref<8xi32, #tpu.memory_space<hbm>>
        tpu.enqueue_dma source(%dma_start3A_108 : memref<8xi32, #tpu.memory_space<hbm>>) target(%dma_start3A_107 : memref<8xi32, #tpu.memory_space<vmem>>) target_semaphore(%run_scoped3A : memref<!tpu.dma_semaphore, #tpu.memory_space<semaphore_mem>>)
        %dma_wait3A = arith.constant 8 : i32
        %dma_wait3A_109 = tpu.memref_slice %arg10[%dma_wait3A] : memref<3152xi32, #tpu.memory_space<vmem>> -> memref<8xi32, #tpu.memory_space<vmem>>
        %dma_wait3A_110 = tpu.memref_slice %arg3[%sub3A_102] : memref<100000xi32, #tpu.memory_space<hbm>> -> memref<8xi32, #tpu.memory_space<hbm>>
        %dma_wait3A_111 = arith.constant 8 : i32
        %dma_wait3A_112 = tpu.memref_slice %arg10[%dma_wait3A_111] : memref<3152xi32, #tpu.memory_space<vmem>> -> memref<8xi32, #tpu.memory_space<vmem>>
        %dma_wait3A_113 = tpu.memref_slice %arg3[%sub3A_102] : memref<100000xi32, #tpu.memory_space<hbm>> -> memref<8xi32, #tpu.memory_space<hbm>>
        tpu.wait_dma2 semaphore(%run_scoped3A : memref<!tpu.dma_semaphore, #tpu.memory_space<semaphore_mem>>) src(%dma_wait3A_113 : memref<8xi32, #tpu.memory_space<hbm>>) dst(%dma_wait3A_112 : memref<8xi32, #tpu.memory_space<vmem>>)
        tpu.yield
      }) : () -> ()
    } else {
    }
    %lt3A = arith.constant 31 : i32
    %lt3A_18 = arith.cmpi slt, %add3A, %lt3A : i32
    %convert_element_type3A_19 = arith.extui %lt3A_18 : i1 to i32
    %cond3A_20 = arith.constant 0 : i32
    %cond3A_21 = arith.cmpi ne, %convert_element_type3A_19, %cond3A_20 : i32
    scf.if %cond3A_21 {
      "tpu.region"() ({
        %run_scoped3A = tpu.sem_alloc : memref<!tpu.dma_semaphore, #tpu.memory_space<semaphore_mem>>
        %dma_start3A_101 = arith.constant 16 : i32
        %dma_start3A_102 = tpu.memref_slice %arg10[%dma_start3A_101] : memref<3152xi32, #tpu.memory_space<vmem>> -> memref<3136xi32, #tpu.memory_space<vmem>>
        %dma_start3A_103 = tpu.memref_slice %arg3[%mul3A_12] : memref<100000xi32, #tpu.memory_space<hbm>> -> memref<3136xi32, #tpu.memory_space<hbm>>
        %dma_start3A_104 = arith.constant 16 : i32
        %dma_start3A_105 = tpu.memref_slice %arg10[%dma_start3A_104] : memref<3152xi32, #tpu.memory_space<vmem>> -> memref<3136xi32, #tpu.memory_space<vmem>>
        %dma_start3A_106 = tpu.memref_slice %arg3[%mul3A_12] : memref<100000xi32, #tpu.memory_space<hbm>> -> memref<3136xi32, #tpu.memory_space<hbm>>
        tpu.enqueue_dma source(%dma_start3A_106 : memref<3136xi32, #tpu.memory_space<hbm>>) target(%dma_start3A_105 : memref<3136xi32, #tpu.memory_space<vmem>>) target_semaphore(%run_scoped3A : memref<!tpu.dma_semaphore, #tpu.memory_space<semaphore_mem>>)
        %dma_wait3A = arith.constant 16 : i32
        %dma_wait3A_107 = tpu.memref_slice %arg10[%dma_wait3A] : memref<3152xi32, #tpu.memory_space<vmem>> -> memref<3136xi32, #tpu.memory_space<vmem>>
        %dma_wait3A_108 = tpu.memref_slice %arg3[%mul3A_12] : memref<100000xi32, #tpu.memory_space<hbm>> -> memref<3136xi32, #tpu.memory_space<hbm>>
        %dma_wait3A_109 = arith.constant 16 : i32
        %dma_wait3A_110 = tpu.memref_slice %arg10[%dma_wait3A_109] : memref<3152xi32, #tpu.memory_space<vmem>> -> memref<3136xi32, #tpu.memory_space<vmem>>
        %dma_wait3A_111 = tpu.memref_slice %arg3[%mul3A_12] : memref<100000xi32, #tpu.memory_space<hbm>> -> memref<3136xi32, #tpu.memory_space<hbm>>
        tpu.wait_dma2 semaphore(%run_scoped3A : memref<!tpu.dma_semaphore, #tpu.memory_space<semaphore_mem>>) src(%dma_wait3A_111 : memref<3136xi32, #tpu.memory_space<hbm>>) dst(%dma_wait3A_110 : memref<3136xi32, #tpu.memory_space<vmem>>)
        tpu.yield
      }) : () -> ()
    } else {
    }
    %eq3A = arith.constant 31 : i32
    %eq3A_22 = arith.cmpi eq, %add3A, %eq3A : i32
    %convert_element_type3A_23 = arith.extui %eq3A_22 : i1 to i32
    %cond3A_24 = arith.constant 0 : i32
    %cond3A_25 = arith.cmpi ne, %convert_element_type3A_23, %cond3A_24 : i32
    scf.if %cond3A_25 {
      "tpu.region"() ({
        %run_scoped3A = tpu.sem_alloc : memref<!tpu.dma_semaphore, #tpu.memory_space<semaphore_mem>>
        %dma_start3A_101 = arith.constant 16 : i32
        %dma_start3A_102 = tpu.memref_slice %arg10[%dma_start3A_101] : memref<3152xi32, #tpu.memory_space<vmem>> -> memref<2784xi32, #tpu.memory_space<vmem>>
        %dma_start3A_103 = tpu.memref_slice %arg3[%mul3A_12] : memref<100000xi32, #tpu.memory_space<hbm>> -> memref<2784xi32, #tpu.memory_space<hbm>>
        %dma_start3A_104 = arith.constant 16 : i32
        %dma_start3A_105 = tpu.memref_slice %arg10[%dma_start3A_104] : memref<3152xi32, #tpu.memory_space<vmem>> -> memref<2784xi32, #tpu.memory_space<vmem>>
        %dma_start3A_106 = tpu.memref_slice %arg3[%mul3A_12] : memref<100000xi32, #tpu.memory_space<hbm>> -> memref<2784xi32, #tpu.memory_space<hbm>>
        tpu.enqueue_dma source(%dma_start3A_106 : memref<2784xi32, #tpu.memory_space<hbm>>) target(%dma_start3A_105 : memref<2784xi32, #tpu.memory_space<vmem>>) target_semaphore(%run_scoped3A : memref<!tpu.dma_semaphore, #tpu.memory_space<semaphore_mem>>)
        %dma_wait3A = arith.constant 16 : i32
        %dma_wait3A_107 = tpu.memref_slice %arg10[%dma_wait3A] : memref<3152xi32, #tpu.memory_space<vmem>> -> memref<2784xi32, #tpu.memory_space<vmem>>
        %dma_wait3A_108 = tpu.memref_slice %arg3[%mul3A_12] : memref<100000xi32, #tpu.memory_space<hbm>> -> memref<2784xi32, #tpu.memory_space<hbm>>
        %dma_wait3A_109 = arith.constant 16 : i32
        %dma_wait3A_110 = tpu.memref_slice %arg10[%dma_wait3A_109] : memref<3152xi32, #tpu.memory_space<vmem>> -> memref<2784xi32, #tpu.memory_space<vmem>>
        %dma_wait3A_111 = tpu.memref_slice %arg3[%mul3A_12] : memref<100000xi32, #tpu.memory_space<hbm>> -> memref<2784xi32, #tpu.memory_space<hbm>>
        tpu.wait_dma2 semaphore(%run_scoped3A : memref<!tpu.dma_semaphore, #tpu.memory_space<semaphore_mem>>) src(%dma_wait3A_111 : memref<2784xi32, #tpu.memory_space<hbm>>) dst(%dma_wait3A_110 : memref<2784xi32, #tpu.memory_space<vmem>>)
        tpu.yield
      }) : () -> ()
    } else {
    }
    %lt3A_26 = arith.constant 31 : i32
    %lt3A_27 = arith.cmpi slt, %add3A, %lt3A_26 : i32
    %jit3A = arith.constant 196 : i32
    %jit3A_28 = arith.constant 174 : i32
    %select_n3A = arith.select %lt3A_27, %jit3A, %jit3A_28 : i32
    %iota3A = tpu.iota {dimensions = array<i32: 0>} : vector<16xi32>
    %get3A = arith.constant 0 : index
    %get3A_29 = tpu.vector_load %arg10[%get3A] {strides = array<i32>} : memref<3152xi32, #tpu.memory_space<vmem>>, vector<16xi32>,
    %broadcast_in_dim3A_30 = arith.constant 15 : i32
    %broadcast_in_dim3A_31 = vector.broadcast %broadcast_in_dim3A_30 : i32 to vector<16xi32>
    %broadcast_in_dim3A_32 = vector.shape_cast %broadcast_in_dim3A_31 : vector<16xi32> to vector<16x1xi32>
    %gather3A = vector.shape_cast %broadcast_in_dim3A_32 : vector<16x1xi32> to vector<16xi32>
    %gather3A_33 = tpu.dynamic_gather %get3A_29[%gather3A] in [0] : vector<16xi32>, vector<16xi32> -> vector<16xi32>
    %sub3A = arith.constant 1 : i32
    %sub3A_34 = vector.broadcast %sub3A : i32 to vector<16xi32>
    %sub3A_35 = arith.subi %iota3A, %sub3A_34 : vector<16xi32>
    %max3A = arith.constant 0 : i32
    %max3A_36 = vector.broadcast %max3A : i32 to vector<16xi32>
    %max3A_37 = arith.maxsi %sub3A_35, %max3A_36 : vector<16xi32>
    %while3A = arith.constant 0 : i32
    %while3A_38 = arith.subi %select_n3A, %while3A : i32
    %while3A_39 = arith.addi %while3A, %while3A_38 : i32
    %while3A_40 = arith.constant 1 : i32
    %while3A_41 = arith.divsi %while3A_38, %while3A_40 : i32
    %while3A_42 = arith.muli %while3A_41, %while3A_40 : i32
    %while3A_43 = arith.addi %while3A, %while3A_42 : i32
    %while3A_44 = arith.constant 1 : i32
    %while3A_45 = scf.for %while3A_101 = %while3A to %while3A_43 step %while3A_44 iter_args(%while3A_102 = %gather3A_33) -> (vector<16xi32>)  : i32 {
      %mul3A_103 = arith.constant 16 : i32
      %mul3A_104 = arith.muli %while3A_101, %mul3A_103 : i32
      %add3A_105 = arith.constant 16 : i32
      %add3A_106 = arith.addi %add3A_105, %mul3A_104 : i32
      %get3A_107 = arith.index_cast %add3A_106 : i32 to index
      %get3A_108 = tpu.vector_load %arg10[%get3A_107] {strides = array<i32>} : memref<3152xi32, #tpu.memory_space<vmem>>, vector<16xi32>,
      %broadcast_in_dim3A_109 = vector.shape_cast %max3A_37 : vector<16xi32> to vector<16x1xi32>
      %gather3A_110 = vector.shape_cast %broadcast_in_dim3A_109 : vector<16x1xi32> to vector<16xi32>
      %gather3A_111 = tpu.dynamic_gather %get3A_108[%gather3A_110] in [0] : vector<16xi32>, vector<16xi32> -> vector<16xi32>
      %eq3A_112 = arith.constant 0 : i32
      %eq3A_113 = vector.broadcast %eq3A_112 : i32 to vector<16xi32>
      %eq3A_114 = arith.cmpi eq, %iota3A, %eq3A_113 : vector<16xi32>
      %select_n3A_115 = arith.select %eq3A_114, %while3A_102, %gather3A_111 : vector<16xi1>, vector<16xi32>
      %ne3A_116 = arith.cmpi ne, %get3A_108, %select_n3A_115 : vector<16xi32>
      %mul3A_117 = arith.constant 16 : i32
      %mul3A_118 = arith.muli %while3A_101, %mul3A_117 : i32
      %add3A_119 = arith.addi %mul3A_12, %mul3A_118 : i32
      %add3A_120 = vector.broadcast %add3A_119 : i32 to vector<16xi32>
      %add3A_121 = arith.addi %add3A_120, %iota3A : vector<16xi32>
      tpu.vector_store_idx %arg11[%get3A_108], %add3A_121 masked %ne3A_116 : memref<512xi32, #tpu.memory_space<vmem>>[vector<16xi32>], vector<16xi32>, vector<16xi1>
      %broadcast_in_dim3A_122 = vector.shape_cast %broadcast_in_dim3A_31 : vector<16xi32> to vector<16x1xi32>
      %gather3A_123 = vector.shape_cast %broadcast_in_dim3A_122 : vector<16x1xi32> to vector<16xi32>
      %gather3A_124 = tpu.dynamic_gather %get3A_108[%gather3A_123] in [0] : vector<16xi32>, vector<16xi32> -> vector<16xi32>
      scf.yield %gather3A_124 : vector<16xi32>
    }
    %while3A_46 = arith.constant 1 : i32
    %while3A_47 = scf.for %while3A_101 = %while3A_43 to %while3A_39 step %while3A_46 iter_args(%while3A_102 = %while3A_45) -> (vector<16xi32>)  : i32 {
      %mul3A_103 = arith.constant 16 : i32
      %mul3A_104 = arith.muli %while3A_101, %mul3A_103 : i32
      %add3A_105 = arith.constant 16 : i32
      %add3A_106 = arith.addi %add3A_105, %mul3A_104 : i32
      %get3A_107 = arith.index_cast %add3A_106 : i32 to index
      %get3A_108 = tpu.vector_load %arg10[%get3A_107] {strides = array<i32>} : memref<3152xi32, #tpu.memory_space<vmem>>, vector<16xi32>,
      %broadcast_in_dim3A_109 = vector.shape_cast %max3A_37 : vector<16xi32> to vector<16x1xi32>
      %gather3A_110 = vector.shape_cast %broadcast_in_dim3A_109 : vector<16x1xi32> to vector<16xi32>
      %gather3A_111 = tpu.dynamic_gather %get3A_108[%gather3A_110] in [0] : vector<16xi32>, vector<16xi32> -> vector<16xi32>
      %eq3A_112 = arith.constant 0 : i32
      %eq3A_113 = vector.broadcast %eq3A_112 : i32 to vector<16xi32>
      %eq3A_114 = arith.cmpi eq, %iota3A, %eq3A_113 : vector<16xi32>
      %select_n3A_115 = arith.select %eq3A_114, %while3A_102, %gather3A_111 : vector<16xi1>, vector<16xi32>
      %ne3A_116 = arith.cmpi ne, %get3A_108, %select_n3A_115 : vector<16xi32>
      %mul3A_117 = arith.constant 16 : i32
      %mul3A_118 = arith.muli %while3A_101, %mul3A_117 : i32
      %add3A_119 = arith.addi %mul3A_12, %mul3A_118 : i32
      %add3A_120 = vector.broadcast %add3A_119 : i32 to vector<16xi32>
      %add3A_121 = arith.addi %add3A_120, %iota3A : vector<16xi32>
      tpu.vector_store_idx %arg11[%get3A_108], %add3A_121 masked %ne3A_116 : memref<512xi32, #tpu.memory_space<vmem>>[vector<16xi32>], vector<16xi32>, vector<16xi1>
      %broadcast_in_dim3A_122 = vector.shape_cast %broadcast_in_dim3A_31 : vector<16xi32> to vector<16x1xi32>
      %gather3A_123 = vector.shape_cast %broadcast_in_dim3A_122 : vector<16x1xi32> to vector<16xi32>
      %gather3A_124 = tpu.dynamic_gather %get3A_108[%gather3A_123] in [0] : vector<16xi32>, vector<16xi32> -> vector<16xi32>
      scf.yield %gather3A_124 : vector<16xi32>
    }
    %sub3A_48 = arith.constant 1561 : i32
    %sub3A_49 = arith.subi %sub3A_48, %add3A : i32
    %jit3A_50 = arith.constant 32 : i32
    %div3A = arith.divsi %sub3A_49, %jit3A_50 : i32
    %sign3A = arith.constant 0 : i32
    %sign3A_51 = arith.cmpi sgt, %sub3A_49, %sign3A : i32
    %sign3A_52 = arith.extui %sign3A_51 : i1 to i32
    %sign3A_53 = arith.constant 0 : i32
    %sign3A_54 = arith.cmpi slt, %sub3A_49, %sign3A_53 : i32
    %sign3A_55 = arith.extui %sign3A_54 : i1 to i32
    %sign3A_56 = arith.subi %sign3A_52, %sign3A_55 : i32
    %sign3A_57 = arith.constant 0 : i32
    %sign3A_58 = arith.cmpi sgt, %jit3A_50, %sign3A_57 : i32
    %sign3A_59 = arith.extui %sign3A_58 : i1 to i32
    %sign3A_60 = arith.constant 0 : i32
    %sign3A_61 = arith.cmpi slt, %jit3A_50, %sign3A_60 : i32
    %sign3A_62 = arith.extui %sign3A_61 : i1 to i32
    %sign3A_63 = arith.subi %sign3A_59, %sign3A_62 : i32
    %ne3A = arith.cmpi ne, %sign3A_56, %sign3A_63 : i32
    %rem3A = arith.remsi %sub3A_49, %jit3A_50 : i32
    %ne3A_64 = arith.constant 0 : i32
    %ne3A_65 = arith.cmpi ne, %rem3A, %ne3A_64 : i32
    %and3A = arith.andi %ne3A, %ne3A_65 : i1
    %sub3A_66 = arith.constant 1 : i32
    %sub3A_67 = arith.subi %div3A, %sub3A_66 : i32
    %select_n3A_68 = arith.select %and3A, %sub3A_67, %div3A : i32
    %add3A_69 = arith.constant 1 : i32
    %add3A_70 = arith.addi %select_n3A_68, %add3A_69 : i32
    %add3A_71 = arith.constant 0 : i32
    %add3A_72 = arith.addi %add3A, %add3A_71 : i32
    %mul3A_73 = arith.constant 64 : i32
    %mul3A_74 = arith.muli %add3A_72, %mul3A_73 : i32
    %multiple_of3A = tpu.assume_multiple %mul3A_74, 64 : i32
    %dma_start3A = arith.constant 0 : i32
    %dma_start3A_75 = arith.constant 0 : i32
    %dma_start3A_76 = tpu.memref_slice %arg2[%multiple_of3A, %dma_start3A, %dma_start3A_75] : memref<100000x4x128xf32, #tpu.memory_space<hbm>> -> memref<64x4x128xf32, #tpu.memory_space<hbm>>
    %dma_start3A_77 = arith.constant 0 : i32
    %dma_start3A_78 = arith.constant 0 : i32
    %dma_start3A_79 = tpu.memref_slice %arg2[%multiple_of3A, %dma_start3A_77, %dma_start3A_78] : memref<100000x4x128xf32, #tpu.memory_space<hbm>> -> memref<64x4x128xf32, #tpu.memory_space<hbm>>
    tpu.enqueue_dma source(%dma_start3A_79 : memref<64x4x128xf32, #tpu.memory_space<hbm>>) target(%arg6 : memref<64x4x128xf32, #tpu.memory_space<vmem>>) target_semaphore(%arg13 : memref<!tpu.dma_semaphore, #tpu.memory_space<semaphore_mem>>)
    %dma_start3A_80 = tpu.memref_slice %arg3[%multiple_of3A] : memref<100000xi32, #tpu.memory_space<hbm>> -> memref<64xi32, #tpu.memory_space<hbm>>
    %dma_start3A_81 = tpu.memref_slice %arg3[%multiple_of3A] : memref<100000xi32, #tpu.memory_space<hbm>> -> memref<64xi32, #tpu.memory_space<hbm>>
    tpu.enqueue_dma source(%dma_start3A_81 : memref<64xi32, #tpu.memory_space<hbm>>) target(%arg8 : memref<64xi32, #tpu.memory_space<vmem>>) target_semaphore(%arg13 : memref<!tpu.dma_semaphore, #tpu.memory_space<semaphore_mem>>)
    %while3A_82 = arith.constant 0 : i32
    %while3A_83 = arith.constant 0 : i32
    %while3A_84 = arith.subi %add3A_70, %while3A_83 : i32
    %while3A_85 = arith.addi %while3A_83, %while3A_84 : i32
    %while3A_86 = arith.constant 1 : i32
    %while3A_87 = arith.divsi %while3A_84, %while3A_86 : i32
    %while3A_88 = arith.muli %while3A_87, %while3A_86 : i32
    %while3A_89 = arith.addi %while3A_83, %while3A_88 : i32
    %while3A_90 = arith.constant 1 : i32
    scf.for %while3A_101 = %while3A_83 to %while3A_89 step %while3A_90  : i32 {
      %and3A_102 = arith.constant 1 : i32
      %and3A_103 = arith.andi %while3A_101, %and3A_102 : i32
      %eq3A_104 = arith.constant 0 : i32
      %eq3A_105 = arith.cmpi eq, %and3A_103, %eq3A_104 : i32
      %convert_element_type3A_106 = arith.extui %eq3A_105 : i1 to i32
      %cond3A_107 = arith.constant 0 : i32
      %cond3A_108 = arith.cmpi ne, %convert_element_type3A_106, %cond3A_107 : i32
      scf.if %cond3A_108 {
        %add3A_116 = arith.constant 1 : i32
        %add3A_117 = arith.addi %while3A_101, %add3A_116 : i32
        %lt3A_118 = arith.cmpi slt, %add3A_117, %add3A_70 : i32
        %convert_element_type3A_119 = arith.extui %lt3A_118 : i1 to i32
        %cond3A_120 = arith.constant 0 : i32
        %cond3A_121 = arith.cmpi ne, %convert_element_type3A_119, %cond3A_120 : i32
        scf.if %cond3A_121 {
          %add3A_133 = arith.constant 1 : i32
          %add3A_134 = arith.addi %while3A_101, %add3A_133 : i32
          %mul3A_135 = arith.constant 32 : i32
          %mul3A_136 = arith.muli %add3A_134, %mul3A_135 : i32
          %add3A_137 = arith.addi %add3A, %mul3A_136 : i32
          %mul3A_138 = arith.constant 64 : i32
          %mul3A_139 = arith.muli %add3A_137, %mul3A_138 : i32
          %multiple_of3A_140 = tpu.assume_multiple %mul3A_139, 64 : i32
          %dma_start3A_141 = arith.constant 0 : i32
          %dma_start3A_142 = arith.constant 0 : i32
          %dma_start3A_143 = tpu.memref_slice %arg2[%multiple_of3A_140, %dma_start3A_141, %dma_start3A_142] : memref<100000x4x128xf32, #tpu.memory_space<hbm>> -> memref<64x4x128xf32, #tpu.memory_space<hbm>>
          %dma_start3A_144 = arith.constant 0 : i32
          %dma_start3A_145 = arith.constant 0 : i32
          %dma_start3A_146 = tpu.memref_slice %arg2[%multiple_of3A_140, %dma_start3A_144, %dma_start3A_145] : memref<100000x4x128xf32, #tpu.memory_space<hbm>> -> memref<64x4x128xf32, #tpu.memory_space<hbm>>
          tpu.enqueue_dma source(%dma_start3A_146 : memref<64x4x128xf32, #tpu.memory_space<hbm>>) target(%arg7 : memref<64x4x128xf32, #tpu.memory_space<vmem>>) target_semaphore(%arg14 : memref<!tpu.dma_semaphore, #tpu.memory_space<semaphore_mem>>)
          %dma_start3A_147 = tpu.memref_slice %arg3[%multiple_of3A_140] : memref<100000xi32, #tpu.memory_space<hbm>> -> memref<64xi32, #tpu.memory_space<hbm>>
          %dma_start3A_148 = tpu.memref_slice %arg3[%multiple_of3A_140] : memref<100000xi32, #tpu.memory_space<hbm>> -> memref<64xi32, #tpu.memory_space<hbm>>
          tpu.enqueue_dma source(%dma_start3A_148 : memref<64xi32, #tpu.memory_space<hbm>>) target(%arg9 : memref<64xi32, #tpu.memory_space<vmem>>) target_semaphore(%arg14 : memref<!tpu.dma_semaphore, #tpu.memory_space<semaphore_mem>>)
        } else {
        }
        %dma_wait3A = arith.constant 0 : i32
        %dma_wait3A_122 = arith.constant 0 : i32
        %dma_wait3A_123 = arith.constant 0 : i32
        %dma_wait3A_124 = tpu.memref_slice %arg2[%dma_wait3A, %dma_wait3A_122, %dma_wait3A_123] : memref<100000x4x128xf32, #tpu.memory_space<hbm>> -> memref<64x4x128xf32, #tpu.memory_space<hbm>>
        %dma_wait3A_125 = arith.constant 0 : i32
        %dma_wait3A_126 = arith.constant 0 : i32
        %dma_wait3A_127 = arith.constant 0 : i32
        %dma_wait3A_128 = tpu.memref_slice %arg2[%dma_wait3A_125, %dma_wait3A_126, %dma_wait3A_127] : memref<100000x4x128xf32, #tpu.memory_space<hbm>> -> memref<64x4x128xf32, #tpu.memory_space<hbm>>
        tpu.wait_dma2 semaphore(%arg13 : memref<!tpu.dma_semaphore, #tpu.memory_space<semaphore_mem>>) src(%dma_wait3A_128 : memref<64x4x128xf32, #tpu.memory_space<hbm>>) dst(%arg6 : memref<64x4x128xf32, #tpu.memory_space<vmem>>)
        %dma_wait3A_129 = arith.constant 0 : i32
        %dma_wait3A_130 = tpu.memref_slice %arg3[%dma_wait3A_129] : memref<100000xi32, #tpu.memory_space<hbm>> -> memref<64xi32, #tpu.memory_space<hbm>>
        %dma_wait3A_131 = arith.constant 0 : i32
        %dma_wait3A_132 = tpu.memref_slice %arg3[%dma_wait3A_131] : memref<100000xi32, #tpu.memory_space<hbm>> -> memref<64xi32, #tpu.memory_space<hbm>>
        tpu.wait_dma2 semaphore(%arg13 : memref<!tpu.dma_semaphore, #tpu.memory_space<semaphore_mem>>) src(%dma_wait3A_132 : memref<64xi32, #tpu.memory_space<hbm>>) dst(%arg8 : memref<64xi32, #tpu.memory_space<vmem>>)
        "tpu.region"() ({
          %run_scoped3A = tpu.sem_alloc : memref<!tpu.dma_semaphore, #tpu.memory_space<semaphore_mem>>
          %dma_start3A_133 = arith.constant 0 : i32
          %dma_start3A_134 = arith.constant 0 : i32
          %dma_start3A_135 = arith.constant 0 : i32
          %dma_start3A_136 = tpu.memref_slice %arg15[%dma_start3A_133, %dma_start3A_134, %dma_start3A_135] : memref<512x4x128xf32, #tpu.memory_space<vmem_shared>> -> memref<512x4x128xf32, #tpu.memory_space<vmem_shared>>
          tpu.enqueue_indirect_dma source(%arg6 : memref<64x4x128xf32, #tpu.memory_space<vmem>>) target(%dma_start3A_136 : memref<512x4x128xf32, #tpu.memory_space<vmem_shared>>) offsets(%arg8 : memref<64xi32, #tpu.memory_space<vmem>>) semaphore(%run_scoped3A : memref<!tpu.dma_semaphore, #tpu.memory_space<semaphore_mem>>) {add = true}
          %dma_wait3A_137 = arith.constant 0 : i32
          %dma_wait3A_138 = arith.constant 0 : i32
          %dma_wait3A_139 = arith.constant 0 : i32
          %dma_wait3A_140 = tpu.memref_slice %arg15[%dma_wait3A_137, %dma_wait3A_138, %dma_wait3A_139] : memref<512x4x128xf32, #tpu.memory_space<vmem_shared>> -> memref<512x4x128xf32, #tpu.memory_space<vmem_shared>>
          tpu.wait_indirect_dma semaphore(%run_scoped3A : memref<!tpu.dma_semaphore, #tpu.memory_space<semaphore_mem>>) src(%arg6 : memref<64x4x128xf32, #tpu.memory_space<vmem>>) dst(%dma_wait3A_140 : memref<512x4x128xf32, #tpu.memory_space<vmem_shared>>)
          tpu.yield
        }) : () -> ()
      } else {
      }
      %and3A_109 = arith.constant 1 : i32
      %and3A_110 = arith.andi %while3A_101, %and3A_109 : i32
      %eq3A_111 = arith.constant 1 : i32
      %eq3A_112 = arith.cmpi eq, %and3A_110, %eq3A_111 : i32
      %convert_element_type3A_113 = arith.extui %eq3A_112 : i1 to i32
      %cond3A_114 = arith.constant 0 : i32
      %cond3A_115 = arith.cmpi ne, %convert_element_type3A_113, %cond3A_114 : i32
      scf.if %cond3A_115 {
        %add3A_116 = arith.constant 1 : i32
        %add3A_117 = arith.addi %while3A_101, %add3A_116 : i32
        %lt3A_118 = arith.cmpi slt, %add3A_117, %add3A_70 : i32
        %convert_element_type3A_119 = arith.extui %lt3A_118 : i1 to i32
        %cond3A_120 = arith.constant 0 : i32
        %cond3A_121 = arith.cmpi ne, %convert_element_type3A_119, %cond3A_120 : i32
        scf.if %cond3A_121 {
          %add3A_133 = arith.constant 1 : i32
          %add3A_134 = arith.addi %while3A_101, %add3A_133 : i32
          %mul3A_135 = arith.constant 32 : i32
          %mul3A_136 = arith.muli %add3A_134, %mul3A_135 : i32
          %add3A_137 = arith.addi %add3A, %mul3A_136 : i32
          %mul3A_138 = arith.constant 64 : i32
          %mul3A_139 = arith.muli %add3A_137, %mul3A_138 : i32
          %multiple_of3A_140 = tpu.assume_multiple %mul3A_139, 64 : i32
          %dma_start3A_141 = arith.constant 0 : i32
          %dma_start3A_142 = arith.constant 0 : i32
          %dma_start3A_143 = tpu.memref_slice %arg2[%multiple_of3A_140, %dma_start3A_141, %dma_start3A_142] : memref<100000x4x128xf32, #tpu.memory_space<hbm>> -> memref<64x4x128xf32, #tpu.memory_space<hbm>>
          %dma_start3A_144 = arith.constant 0 : i32
          %dma_start3A_145 = arith.constant 0 : i32
          %dma_start3A_146 = tpu.memref_slice %arg2[%multiple_of3A_140, %dma_start3A_144, %dma_start3A_145] : memref<100000x4x128xf32, #tpu.memory_space<hbm>> -> memref<64x4x128xf32, #tpu.memory_space<hbm>>
          tpu.enqueue_dma source(%dma_start3A_146 : memref<64x4x128xf32, #tpu.memory_space<hbm>>) target(%arg6 : memref<64x4x128xf32, #tpu.memory_space<vmem>>) target_semaphore(%arg13 : memref<!tpu.dma_semaphore, #tpu.memory_space<semaphore_mem>>)
          %dma_start3A_147 = tpu.memref_slice %arg3[%multiple_of3A_140] : memref<100000xi32, #tpu.memory_space<hbm>> -> memref<64xi32, #tpu.memory_space<hbm>>
          %dma_start3A_148 = tpu.memref_slice %arg3[%multiple_of3A_140] : memref<100000xi32, #tpu.memory_space<hbm>> -> memref<64xi32, #tpu.memory_space<hbm>>
          tpu.enqueue_dma source(%dma_start3A_148 : memref<64xi32, #tpu.memory_space<hbm>>) target(%arg8 : memref<64xi32, #tpu.memory_space<vmem>>) target_semaphore(%arg13 : memref<!tpu.dma_semaphore, #tpu.memory_space<semaphore_mem>>)
        } else {
        }
        %dma_wait3A = arith.constant 0 : i32
        %dma_wait3A_122 = arith.constant 0 : i32
        %dma_wait3A_123 = arith.constant 0 : i32
        %dma_wait3A_124 = tpu.memref_slice %arg2[%dma_wait3A, %dma_wait3A_122, %dma_wait3A_123] : memref<100000x4x128xf32, #tpu.memory_space<hbm>> -> memref<64x4x128xf32, #tpu.memory_space<hbm>>
        %dma_wait3A_125 = arith.constant 0 : i32
        %dma_wait3A_126 = arith.constant 0 : i32
        %dma_wait3A_127 = arith.constant 0 : i32
        %dma_wait3A_128 = tpu.memref_slice %arg2[%dma_wait3A_125, %dma_wait3A_126, %dma_wait3A_127] : memref<100000x4x128xf32, #tpu.memory_space<hbm>> -> memref<64x4x128xf32, #tpu.memory_space<hbm>>
        tpu.wait_dma2 semaphore(%arg14 : memref<!tpu.dma_semaphore, #tpu.memory_space<semaphore_mem>>) src(%dma_wait3A_128 : memref<64x4x128xf32, #tpu.memory_space<hbm>>) dst(%arg7 : memref<64x4x128xf32, #tpu.memory_space<vmem>>)
        %dma_wait3A_129 = arith.constant 0 : i32
        %dma_wait3A_130 = tpu.memref_slice %arg3[%dma_wait3A_129] : memref<100000xi32, #tpu.memory_space<hbm>> -> memref<64xi32, #tpu.memory_space<hbm>>
        %dma_wait3A_131 = arith.constant 0 : i32
        %dma_wait3A_132 = tpu.memref_slice %arg3[%dma_wait3A_131] : memref<100000xi32, #tpu.memory_space<hbm>> -> memref<64xi32, #tpu.memory_space<hbm>>
        tpu.wait_dma2 semaphore(%arg14 : memref<!tpu.dma_semaphore, #tpu.memory_space<semaphore_mem>>) src(%dma_wait3A_132 : memref<64xi32, #tpu.memory_space<hbm>>) dst(%arg9 : memref<64xi32, #tpu.memory_space<vmem>>)
        "tpu.region"() ({
          %run_scoped3A = tpu.sem_alloc : memref<!tpu.dma_semaphore, #tpu.memory_space<semaphore_mem>>
          %dma_start3A_133 = arith.constant 0 : i32
          %dma_start3A_134 = arith.constant 0 : i32
          %dma_start3A_135 = arith.constant 0 : i32
          %dma_start3A_136 = tpu.memref_slice %arg15[%dma_start3A_133, %dma_start3A_134, %dma_start3A_135] : memref<512x4x128xf32, #tpu.memory_space<vmem_shared>> -> memref<512x4x128xf32, #tpu.memory_space<vmem_shared>>
          tpu.enqueue_indirect_dma source(%arg7 : memref<64x4x128xf32, #tpu.memory_space<vmem>>) target(%dma_start3A_136 : memref<512x4x128xf32, #tpu.memory_space<vmem_shared>>) offsets(%arg9 : memref<64xi32, #tpu.memory_space<vmem>>) semaphore(%run_scoped3A : memref<!tpu.dma_semaphore, #tpu.memory_space<semaphore_mem>>) {add = true}
          %dma_wait3A_137 = arith.constant 0 : i32
          %dma_wait3A_138 = arith.constant 0 : i32
          %dma_wait3A_139 = arith.constant 0 : i32
          %dma_wait3A_140 = tpu.memref_slice %arg15[%dma_wait3A_137, %dma_wait3A_138, %dma_wait3A_139] : memref<512x4x128xf32, #tpu.memory_space<vmem_shared>> -> memref<512x4x128xf32, #tpu.memory_space<vmem_shared>>
          tpu.wait_indirect_dma semaphore(%run_scoped3A : memref<!tpu.dma_semaphore, #tpu.memory_space<semaphore_mem>>) src(%arg7 : memref<64x4x128xf32, #tpu.memory_space<vmem>>) dst(%dma_wait3A_140 : memref<512x4x128xf32, #tpu.memory_space<vmem_shared>>)
          tpu.yield
        }) : () -> ()
      } else {
      }
    }
    %while3A_91 = arith.constant 1 : i32
    scf.for %while3A_101 = %while3A_89 to %while3A_85 step %while3A_91  : i32 {
      %and3A_102 = arith.constant 1 : i32
      %and3A_103 = arith.andi %while3A_101, %and3A_102 : i32
      %eq3A_104 = arith.constant 0 : i32
      %eq3A_105 = arith.cmpi eq, %and3A_103, %eq3A_104 : i32
      %convert_element_type3A_106 = arith.extui %eq3A_105 : i1 to i32
      %cond3A_107 = arith.constant 0 : i32
      %cond3A_108 = arith.cmpi ne, %convert_element_type3A_106, %cond3A_107 : i32
      scf.if %cond3A_108 {
        %add3A_116 = arith.constant 1 : i32
        %add3A_117 = arith.addi %while3A_101, %add3A_116 : i32
        %lt3A_118 = arith.cmpi slt, %add3A_117, %add3A_70 : i32
        %convert_element_type3A_119 = arith.extui %lt3A_118 : i1 to i32
        %cond3A_120 = arith.constant 0 : i32
        %cond3A_121 = arith.cmpi ne, %convert_element_type3A_119, %cond3A_120 : i32
        scf.if %cond3A_121 {
          %add3A_133 = arith.constant 1 : i32
          %add3A_134 = arith.addi %while3A_101, %add3A_133 : i32
          %mul3A_135 = arith.constant 32 : i32
          %mul3A_136 = arith.muli %add3A_134, %mul3A_135 : i32
          %add3A_137 = arith.addi %add3A, %mul3A_136 : i32
          %mul3A_138 = arith.constant 64 : i32
          %mul3A_139 = arith.muli %add3A_137, %mul3A_138 : i32
          %multiple_of3A_140 = tpu.assume_multiple %mul3A_139, 64 : i32
          %dma_start3A_141 = arith.constant 0 : i32
          %dma_start3A_142 = arith.constant 0 : i32
          %dma_start3A_143 = tpu.memref_slice %arg2[%multiple_of3A_140, %dma_start3A_141, %dma_start3A_142] : memref<100000x4x128xf32, #tpu.memory_space<hbm>> -> memref<64x4x128xf32, #tpu.memory_space<hbm>>
          %dma_start3A_144 = arith.constant 0 : i32
          %dma_start3A_145 = arith.constant 0 : i32
          %dma_start3A_146 = tpu.memref_slice %arg2[%multiple_of3A_140, %dma_start3A_144, %dma_start3A_145] : memref<100000x4x128xf32, #tpu.memory_space<hbm>> -> memref<64x4x128xf32, #tpu.memory_space<hbm>>
          tpu.enqueue_dma source(%dma_start3A_146 : memref<64x4x128xf32, #tpu.memory_space<hbm>>) target(%arg7 : memref<64x4x128xf32, #tpu.memory_space<vmem>>) target_semaphore(%arg14 : memref<!tpu.dma_semaphore, #tpu.memory_space<semaphore_mem>>)
          %dma_start3A_147 = tpu.memref_slice %arg3[%multiple_of3A_140] : memref<100000xi32, #tpu.memory_space<hbm>> -> memref<64xi32, #tpu.memory_space<hbm>>
          %dma_start3A_148 = tpu.memref_slice %arg3[%multiple_of3A_140] : memref<100000xi32, #tpu.memory_space<hbm>> -> memref<64xi32, #tpu.memory_space<hbm>>
          tpu.enqueue_dma source(%dma_start3A_148 : memref<64xi32, #tpu.memory_space<hbm>>) target(%arg9 : memref<64xi32, #tpu.memory_space<vmem>>) target_semaphore(%arg14 : memref<!tpu.dma_semaphore, #tpu.memory_space<semaphore_mem>>)
        } else {
        }
        %dma_wait3A = arith.constant 0 : i32
        %dma_wait3A_122 = arith.constant 0 : i32
        %dma_wait3A_123 = arith.constant 0 : i32
        %dma_wait3A_124 = tpu.memref_slice %arg2[%dma_wait3A, %dma_wait3A_122, %dma_wait3A_123] : memref<100000x4x128xf32, #tpu.memory_space<hbm>> -> memref<64x4x128xf32, #tpu.memory_space<hbm>>
        %dma_wait3A_125 = arith.constant 0 : i32
        %dma_wait3A_126 = arith.constant 0 : i32
        %dma_wait3A_127 = arith.constant 0 : i32
        %dma_wait3A_128 = tpu.memref_slice %arg2[%dma_wait3A_125, %dma_wait3A_126, %dma_wait3A_127] : memref<100000x4x128xf32, #tpu.memory_space<hbm>> -> memref<64x4x128xf32, #tpu.memory_space<hbm>>
        tpu.wait_dma2 semaphore(%arg13 : memref<!tpu.dma_semaphore, #tpu.memory_space<semaphore_mem>>) src(%dma_wait3A_128 : memref<64x4x128xf32, #tpu.memory_space<hbm>>) dst(%arg6 : memref<64x4x128xf32, #tpu.memory_space<vmem>>)
        %dma_wait3A_129 = arith.constant 0 : i32
        %dma_wait3A_130 = tpu.memref_slice %arg3[%dma_wait3A_129] : memref<100000xi32, #tpu.memory_space<hbm>> -> memref<64xi32, #tpu.memory_space<hbm>>
        %dma_wait3A_131 = arith.constant 0 : i32
        %dma_wait3A_132 = tpu.memref_slice %arg3[%dma_wait3A_131] : memref<100000xi32, #tpu.memory_space<hbm>> -> memref<64xi32, #tpu.memory_space<hbm>>
        tpu.wait_dma2 semaphore(%arg13 : memref<!tpu.dma_semaphore, #tpu.memory_space<semaphore_mem>>) src(%dma_wait3A_132 : memref<64xi32, #tpu.memory_space<hbm>>) dst(%arg8 : memref<64xi32, #tpu.memory_space<vmem>>)
        "tpu.region"() ({
          %run_scoped3A = tpu.sem_alloc : memref<!tpu.dma_semaphore, #tpu.memory_space<semaphore_mem>>
          %dma_start3A_133 = arith.constant 0 : i32
          %dma_start3A_134 = arith.constant 0 : i32
          %dma_start3A_135 = arith.constant 0 : i32
          %dma_start3A_136 = tpu.memref_slice %arg15[%dma_start3A_133, %dma_start3A_134, %dma_start3A_135] : memref<512x4x128xf32, #tpu.memory_space<vmem_shared>> -> memref<512x4x128xf32, #tpu.memory_space<vmem_shared>>
          tpu.enqueue_indirect_dma source(%arg6 : memref<64x4x128xf32, #tpu.memory_space<vmem>>) target(%dma_start3A_136 : memref<512x4x128xf32, #tpu.memory_space<vmem_shared>>) offsets(%arg8 : memref<64xi32, #tpu.memory_space<vmem>>) semaphore(%run_scoped3A : memref<!tpu.dma_semaphore, #tpu.memory_space<semaphore_mem>>) {add = true}
          %dma_wait3A_137 = arith.constant 0 : i32
          %dma_wait3A_138 = arith.constant 0 : i32
          %dma_wait3A_139 = arith.constant 0 : i32
          %dma_wait3A_140 = tpu.memref_slice %arg15[%dma_wait3A_137, %dma_wait3A_138, %dma_wait3A_139] : memref<512x4x128xf32, #tpu.memory_space<vmem_shared>> -> memref<512x4x128xf32, #tpu.memory_space<vmem_shared>>
          tpu.wait_indirect_dma semaphore(%run_scoped3A : memref<!tpu.dma_semaphore, #tpu.memory_space<semaphore_mem>>) src(%arg6 : memref<64x4x128xf32, #tpu.memory_space<vmem>>) dst(%dma_wait3A_140 : memref<512x4x128xf32, #tpu.memory_space<vmem_shared>>)
          tpu.yield
        }) : () -> ()
      } else {
      }
      %and3A_109 = arith.constant 1 : i32
      %and3A_110 = arith.andi %while3A_101, %and3A_109 : i32
      %eq3A_111 = arith.constant 1 : i32
      %eq3A_112 = arith.cmpi eq, %and3A_110, %eq3A_111 : i32
      %convert_element_type3A_113 = arith.extui %eq3A_112 : i1 to i32
      %cond3A_114 = arith.constant 0 : i32
      %cond3A_115 = arith.cmpi ne, %convert_element_type3A_113, %cond3A_114 : i32
      scf.if %cond3A_115 {
        %add3A_116 = arith.constant 1 : i32
        %add3A_117 = arith.addi %while3A_101, %add3A_116 : i32
        %lt3A_118 = arith.cmpi slt, %add3A_117, %add3A_70 : i32
        %convert_element_type3A_119 = arith.extui %lt3A_118 : i1 to i32
        %cond3A_120 = arith.constant 0 : i32
        %cond3A_121 = arith.cmpi ne, %convert_element_type3A_119, %cond3A_120 : i32
        scf.if %cond3A_121 {
          %add3A_133 = arith.constant 1 : i32
          %add3A_134 = arith.addi %while3A_101, %add3A_133 : i32
          %mul3A_135 = arith.constant 32 : i32
          %mul3A_136 = arith.muli %add3A_134, %mul3A_135 : i32
          %add3A_137 = arith.addi %add3A, %mul3A_136 : i32
          %mul3A_138 = arith.constant 64 : i32
          %mul3A_139 = arith.muli %add3A_137, %mul3A_138 : i32
          %multiple_of3A_140 = tpu.assume_multiple %mul3A_139, 64 : i32
          %dma_start3A_141 = arith.constant 0 : i32
          %dma_start3A_142 = arith.constant 0 : i32
          %dma_start3A_143 = tpu.memref_slice %arg2[%multiple_of3A_140, %dma_start3A_141, %dma_start3A_142] : memref<100000x4x128xf32, #tpu.memory_space<hbm>> -> memref<64x4x128xf32, #tpu.memory_space<hbm>>
          %dma_start3A_144 = arith.constant 0 : i32
          %dma_start3A_145 = arith.constant 0 : i32
          %dma_start3A_146 = tpu.memref_slice %arg2[%multiple_of3A_140, %dma_start3A_144, %dma_start3A_145] : memref<100000x4x128xf32, #tpu.memory_space<hbm>> -> memref<64x4x128xf32, #tpu.memory_space<hbm>>
          tpu.enqueue_dma source(%dma_start3A_146 : memref<64x4x128xf32, #tpu.memory_space<hbm>>) target(%arg6 : memref<64x4x128xf32, #tpu.memory_space<vmem>>) target_semaphore(%arg13 : memref<!tpu.dma_semaphore, #tpu.memory_space<semaphore_mem>>)
          %dma_start3A_147 = tpu.memref_slice %arg3[%multiple_of3A_140] : memref<100000xi32, #tpu.memory_space<hbm>> -> memref<64xi32, #tpu.memory_space<hbm>>
          %dma_start3A_148 = tpu.memref_slice %arg3[%multiple_of3A_140] : memref<100000xi32, #tpu.memory_space<hbm>> -> memref<64xi32, #tpu.memory_space<hbm>>
          tpu.enqueue_dma source(%dma_start3A_148 : memref<64xi32, #tpu.memory_space<hbm>>) target(%arg8 : memref<64xi32, #tpu.memory_space<vmem>>) target_semaphore(%arg13 : memref<!tpu.dma_semaphore, #tpu.memory_space<semaphore_mem>>)
        } else {
        }
        %dma_wait3A = arith.constant 0 : i32
        %dma_wait3A_122 = arith.constant 0 : i32
        %dma_wait3A_123 = arith.constant 0 : i32
        %dma_wait3A_124 = tpu.memref_slice %arg2[%dma_wait3A, %dma_wait3A_122, %dma_wait3A_123] : memref<100000x4x128xf32, #tpu.memory_space<hbm>> -> memref<64x4x128xf32, #tpu.memory_space<hbm>>
        %dma_wait3A_125 = arith.constant 0 : i32
        %dma_wait3A_126 = arith.constant 0 : i32
        %dma_wait3A_127 = arith.constant 0 : i32
        %dma_wait3A_128 = tpu.memref_slice %arg2[%dma_wait3A_125, %dma_wait3A_126, %dma_wait3A_127] : memref<100000x4x128xf32, #tpu.memory_space<hbm>> -> memref<64x4x128xf32, #tpu.memory_space<hbm>>
        tpu.wait_dma2 semaphore(%arg14 : memref<!tpu.dma_semaphore, #tpu.memory_space<semaphore_mem>>) src(%dma_wait3A_128 : memref<64x4x128xf32, #tpu.memory_space<hbm>>) dst(%arg7 : memref<64x4x128xf32, #tpu.memory_space<vmem>>)
        %dma_wait3A_129 = arith.constant 0 : i32
        %dma_wait3A_130 = tpu.memref_slice %arg3[%dma_wait3A_129] : memref<100000xi32, #tpu.memory_space<hbm>> -> memref<64xi32, #tpu.memory_space<hbm>>
        %dma_wait3A_131 = arith.constant 0 : i32
        %dma_wait3A_132 = tpu.memref_slice %arg3[%dma_wait3A_131] : memref<100000xi32, #tpu.memory_space<hbm>> -> memref<64xi32, #tpu.memory_space<hbm>>
        tpu.wait_dma2 semaphore(%arg14 : memref<!tpu.dma_semaphore, #tpu.memory_space<semaphore_mem>>) src(%dma_wait3A_132 : memref<64xi32, #tpu.memory_space<hbm>>) dst(%arg9 : memref<64xi32, #tpu.memory_space<vmem>>)
        "tpu.region"() ({
          %run_scoped3A = tpu.sem_alloc : memref<!tpu.dma_semaphore, #tpu.memory_space<semaphore_mem>>
          %dma_start3A_133 = arith.constant 0 : i32
          %dma_start3A_134 = arith.constant 0 : i32
          %dma_start3A_135 = arith.constant 0 : i32
          %dma_start3A_136 = tpu.memref_slice %arg15[%dma_start3A_133, %dma_start3A_134, %dma_start3A_135] : memref<512x4x128xf32, #tpu.memory_space<vmem_shared>> -> memref<512x4x128xf32, #tpu.memory_space<vmem_shared>>
          tpu.enqueue_indirect_dma source(%arg7 : memref<64x4x128xf32, #tpu.memory_space<vmem>>) target(%dma_start3A_136 : memref<512x4x128xf32, #tpu.memory_space<vmem_shared>>) offsets(%arg9 : memref<64xi32, #tpu.memory_space<vmem>>) semaphore(%run_scoped3A : memref<!tpu.dma_semaphore, #tpu.memory_space<semaphore_mem>>) {add = true}
          %dma_wait3A_137 = arith.constant 0 : i32
          %dma_wait3A_138 = arith.constant 0 : i32
          %dma_wait3A_139 = arith.constant 0 : i32
          %dma_wait3A_140 = tpu.memref_slice %arg15[%dma_wait3A_137, %dma_wait3A_138, %dma_wait3A_139] : memref<512x4x128xf32, #tpu.memory_space<vmem_shared>> -> memref<512x4x128xf32, #tpu.memory_space<vmem_shared>>
          tpu.wait_indirect_dma semaphore(%run_scoped3A : memref<!tpu.dma_semaphore, #tpu.memory_space<semaphore_mem>>) src(%arg7 : memref<64x4x128xf32, #tpu.memory_space<vmem>>) dst(%dma_wait3A_140 : memref<512x4x128xf32, #tpu.memory_space<vmem_shared>>)
          tpu.yield
        }) : () -> ()
      } else {
      }
    }
    %eq3A_92 = arith.constant 0 : i32
    %eq3A_93 = arith.cmpi eq, %arg0, %eq3A_92 : i32
    %eq3A_94 = arith.constant 0 : i32
    %eq3A_95 = arith.cmpi eq, %arg1, %eq3A_94 : i32
    %and3A_96 = arith.andi %eq3A_93, %eq3A_95 : i1
    %convert_element_type3A_97 = arith.extui %and3A_96 : i1 to i32
    %cond3A_98 = arith.constant 0 : i32
    %cond3A_99 = arith.cmpi ne, %convert_element_type3A_97, %cond3A_98 : i32
    scf.if %cond3A_99 {
      %multiple_of3A_101 = arith.constant 99968 : i32
      %multiple_of3A_102 = tpu.assume_multiple %multiple_of3A_101, 32 : i32
      "tpu.region"() ({
        %run_scoped3A = tpu.sem_alloc : memref<!tpu.dma_semaphore, #tpu.memory_space<semaphore_mem>>
        %dma_start3A_103 = arith.constant 0 : i32
        %dma_start3A_104 = arith.constant 0 : i32
        %dma_start3A_105 = arith.constant 0 : i32
        %dma_start3A_106 = tpu.memref_slice %arg6[%dma_start3A_103, %dma_start3A_104, %dma_start3A_105] : memref<64x4x128xf32, #tpu.memory_space<vmem>> -> memref<32x4x128xf32, #tpu.memory_space<vmem>>
        %dma_start3A_107 = arith.constant 0 : i32
        %dma_start3A_108 = arith.constant 0 : i32
        %dma_start3A_109 = tpu.memref_slice %arg2[%multiple_of3A_102, %dma_start3A_107, %dma_start3A_108] : memref<100000x4x128xf32, #tpu.memory_space<hbm>> -> memref<32x4x128xf32, #tpu.memory_space<hbm>>
        %dma_start3A_110 = arith.constant 0 : i32
        %dma_start3A_111 = arith.constant 0 : i32
        %dma_start3A_112 = arith.constant 0 : i32
        %dma_start3A_113 = tpu.memref_slice %arg6[%dma_start3A_110, %dma_start3A_111, %dma_start3A_112] : memref<64x4x128xf32, #tpu.memory_space<vmem>> -> memref<32x4x128xf32, #tpu.memory_space<vmem>>
        %dma_start3A_114 = arith.constant 0 : i32
        %dma_start3A_115 = arith.constant 0 : i32
        %dma_start3A_116 = tpu.memref_slice %arg2[%multiple_of3A_102, %dma_start3A_114, %dma_start3A_115] : memref<100000x4x128xf32, #tpu.memory_space<hbm>> -> memref<32x4x128xf32, #tpu.memory_space<hbm>>
        tpu.enqueue_dma source(%dma_start3A_116 : memref<32x4x128xf32, #tpu.memory_space<hbm>>) target(%dma_start3A_113 : memref<32x4x128xf32, #tpu.memory_space<vmem>>) target_semaphore(%run_scoped3A : memref<!tpu.dma_semaphore, #tpu.memory_space<semaphore_mem>>)
        %dma_wait3A = arith.constant 0 : i32
        %dma_wait3A_117 = arith.constant 0 : i32
        %dma_wait3A_118 = arith.constant 0 : i32
        %dma_wait3A_119 = tpu.memref_slice %arg6[%dma_wait3A, %dma_wait3A_117, %dma_wait3A_118] : memref<64x4x128xf32, #tpu.memory_space<vmem>> -> memref<32x4x128xf32, #tpu.memory_space<vmem>>
        %dma_wait3A_120 = arith.constant 0 : i32
        %dma_wait3A_121 = arith.constant 0 : i32
        %dma_wait3A_122 = tpu.memref_slice %arg2[%multiple_of3A_102, %dma_wait3A_120, %dma_wait3A_121] : memref<100000x4x128xf32, #tpu.memory_space<hbm>> -> memref<32x4x128xf32, #tpu.memory_space<hbm>>
        %dma_wait3A_123 = arith.constant 0 : i32
        %dma_wait3A_124 = arith.constant 0 : i32
        %dma_wait3A_125 = arith.constant 0 : i32
        %dma_wait3A_126 = tpu.memref_slice %arg6[%dma_wait3A_123, %dma_wait3A_124, %dma_wait3A_125] : memref<64x4x128xf32, #tpu.memory_space<vmem>> -> memref<32x4x128xf32, #tpu.memory_space<vmem>>
        %dma_wait3A_127 = arith.constant 0 : i32
        %dma_wait3A_128 = arith.constant 0 : i32
        %dma_wait3A_129 = tpu.memref_slice %arg2[%multiple_of3A_102, %dma_wait3A_127, %dma_wait3A_128] : memref<100000x4x128xf32, #tpu.memory_space<hbm>> -> memref<32x4x128xf32, #tpu.memory_space<hbm>>
        tpu.wait_dma2 semaphore(%run_scoped3A : memref<!tpu.dma_semaphore, #tpu.memory_space<semaphore_mem>>) src(%dma_wait3A_129 : memref<32x4x128xf32, #tpu.memory_space<hbm>>) dst(%dma_wait3A_126 : memref<32x4x128xf32, #tpu.memory_space<vmem>>)
        tpu.yield
      }) : () -> ()
      "tpu.region"() ({
        %run_scoped3A = tpu.sem_alloc : memref<!tpu.dma_semaphore, #tpu.memory_space<semaphore_mem>>
        %dma_start3A_103 = tpu.memref_slice %arg3[%multiple_of3A_102] : memref<100000xi32, #tpu.memory_space<hbm>> -> memref<32xi32, #tpu.memory_space<hbm>>
        %dma_start3A_104 = tpu.memref_slice %arg3[%multiple_of3A_102] : memref<100000xi32, #tpu.memory_space<hbm>> -> memref<32xi32, #tpu.memory_space<hbm>>
        tpu.enqueue_dma source(%dma_start3A_104 : memref<32xi32, #tpu.memory_space<hbm>>) target(%arg12 : memref<32xi32, #tpu.memory_space<vmem>>) target_semaphore(%run_scoped3A : memref<!tpu.dma_semaphore, #tpu.memory_space<semaphore_mem>>)
        %dma_wait3A = tpu.memref_slice %arg3[%multiple_of3A_102] : memref<100000xi32, #tpu.memory_space<hbm>> -> memref<32xi32, #tpu.memory_space<hbm>>
        %dma_wait3A_105 = tpu.memref_slice %arg3[%multiple_of3A_102] : memref<100000xi32, #tpu.memory_space<hbm>> -> memref<32xi32, #tpu.memory_space<hbm>>
        tpu.wait_dma2 semaphore(%run_scoped3A : memref<!tpu.dma_semaphore, #tpu.memory_space<semaphore_mem>>) src(%dma_wait3A_105 : memref<32xi32, #tpu.memory_space<hbm>>) dst(%arg12 : memref<32xi32, #tpu.memory_space<vmem>>)
        tpu.yield
      }) : () -> ()
      "tpu.region"() ({
        %run_scoped3A = tpu.sem_alloc : memref<!tpu.dma_semaphore, #tpu.memory_space<semaphore_mem>>
        %dma_start3A_103 = arith.constant 0 : i32
        %dma_start3A_104 = arith.constant 0 : i32
        %dma_start3A_105 = arith.constant 0 : i32
        %dma_start3A_106 = tpu.memref_slice %arg6[%dma_start3A_103, %dma_start3A_104, %dma_start3A_105] : memref<64x4x128xf32, #tpu.memory_space<vmem>> -> memref<32x4x128xf32, #tpu.memory_space<vmem>>
        %dma_start3A_107 = arith.constant 0 : i32
        %dma_start3A_108 = arith.constant 0 : i32
        %dma_start3A_109 = arith.constant 0 : i32
        %dma_start3A_110 = tpu.memref_slice %arg15[%dma_start3A_107, %dma_start3A_108, %dma_start3A_109] : memref<512x4x128xf32, #tpu.memory_space<vmem_shared>> -> memref<512x4x128xf32, #tpu.memory_space<vmem_shared>>
        tpu.enqueue_indirect_dma source(%dma_start3A_106 : memref<32x4x128xf32, #tpu.memory_space<vmem>>) target(%dma_start3A_110 : memref<512x4x128xf32, #tpu.memory_space<vmem_shared>>) offsets(%arg12 : memref<32xi32, #tpu.memory_space<vmem>>) semaphore(%run_scoped3A : memref<!tpu.dma_semaphore, #tpu.memory_space<semaphore_mem>>) {add = true}
        %dma_wait3A = arith.constant 0 : i32
        %dma_wait3A_111 = arith.constant 0 : i32
        %dma_wait3A_112 = arith.constant 0 : i32
        %dma_wait3A_113 = tpu.memref_slice %arg6[%dma_wait3A, %dma_wait3A_111, %dma_wait3A_112] : memref<64x4x128xf32, #tpu.memory_space<vmem>> -> memref<32x4x128xf32, #tpu.memory_space<vmem>>
        %dma_wait3A_114 = arith.constant 0 : i32
        %dma_wait3A_115 = arith.constant 0 : i32
        %dma_wait3A_116 = arith.constant 0 : i32
        %dma_wait3A_117 = tpu.memref_slice %arg15[%dma_wait3A_114, %dma_wait3A_115, %dma_wait3A_116] : memref<512x4x128xf32, #tpu.memory_space<vmem_shared>> -> memref<512x4x128xf32, #tpu.memory_space<vmem_shared>>
        tpu.wait_indirect_dma semaphore(%run_scoped3A : memref<!tpu.dma_semaphore, #tpu.memory_space<semaphore_mem>>) src(%dma_wait3A_113 : memref<32x4x128xf32, #tpu.memory_space<vmem>>) dst(%dma_wait3A_117 : memref<512x4x128xf32, #tpu.memory_space<vmem_shared>>)
        tpu.yield
      }) : () -> ()
    } else {
    }
    %barrier3A_100 = arith.constant 0 : index
    tpu.barrier barrier_id(%barrier3A_100)
    "tpu.region"() ({
      %run_scoped3A = tpu.sem_alloc : memref<!tpu.dma_semaphore, #tpu.memory_space<semaphore_mem>>
      %dma_start3A_101 = arith.constant 0 : i32
      %dma_start3A_102 = arith.constant 0 : i32
      %dma_start3A_103 = tpu.memref_slice %arg4[%arg0, %mul3A_10, %dma_start3A_101, %dma_start3A_102] : memref<2x512x4x128xf32, #tpu.memory_space<hbm>> -> memref<1x32x4x128xf32, #tpu.memory_space<hbm>>
      %dma_start3A_104 = tpu.memref_squeeze %dma_start3A_103 : memref<1x32x4x128xf32, #tpu.memory_space<hbm>> -> memref<32x4x128xf32, #tpu.memory_space<hbm>>
      %dma_start3A_105 = arith.constant 0 : i32
      %dma_start3A_106 = arith.constant 0 : i32
      %dma_start3A_107 = tpu.memref_slice %arg15[%mul3A_10, %dma_start3A_105, %dma_start3A_106] : memref<512x4x128xf32, #tpu.memory_space<vmem_shared>> -> memref<32x4x128xf32, #tpu.memory_space<vmem_shared>>
      tpu.enqueue_dma source(%dma_start3A_107 : memref<32x4x128xf32, #tpu.memory_space<vmem_shared>>) target(%dma_start3A_104 : memref<32x4x128xf32, #tpu.memory_space<hbm>>) target_semaphore(%run_scoped3A : memref<!tpu.dma_semaphore, #tpu.memory_space<semaphore_mem>>)
      %dma_wait3A = arith.constant 0 : i32
      %dma_wait3A_108 = arith.constant 0 : i32
      %dma_wait3A_109 = tpu.memref_slice %arg4[%arg0, %mul3A_10, %dma_wait3A, %dma_wait3A_108] : memref<2x512x4x128xf32, #tpu.memory_space<hbm>> -> memref<1x32x4x128xf32, #tpu.memory_space<hbm>>
      %dma_wait3A_110 = tpu.memref_squeeze %dma_wait3A_109 : memref<1x32x4x128xf32, #tpu.memory_space<hbm>> -> memref<32x4x128xf32, #tpu.memory_space<hbm>>
      %dma_wait3A_111 = arith.constant 0 : i32
      %dma_wait3A_112 = arith.constant 0 : i32
      %dma_wait3A_113 = tpu.memref_slice %arg15[%mul3A_10, %dma_wait3A_111, %dma_wait3A_112] : memref<512x4x128xf32, #tpu.memory_space<vmem_shared>> -> memref<32x4x128xf32, #tpu.memory_space<vmem_shared>>
      tpu.wait_dma2 semaphore(%run_scoped3A : memref<!tpu.dma_semaphore, #tpu.memory_space<semaphore_mem>>) src(%dma_wait3A_113 : memref<32x4x128xf32, #tpu.memory_space<vmem_shared>>) dst(%dma_wait3A_110 : memref<32x4x128xf32, #tpu.memory_space<hbm>>)
      tpu.yield
    }) : () -> ()
    "tpu.region"() ({
      %run_scoped3A = tpu.sem_alloc : memref<!tpu.dma_semaphore, #tpu.memory_space<semaphore_mem>>
      %dma_start3A_101 = arith.constant 0 : i32
      %dma_start3A_102 = tpu.memref_slice %arg5[%arg0, %arg1, %dma_start3A_101] : memref<2x16x512xi32, #tpu.memory_space<hbm>> -> memref<1x1x512xi32, #tpu.memory_space<hbm>>
      %dma_start3A_103 = tpu.memref_squeeze %dma_start3A_102 : memref<1x1x512xi32, #tpu.memory_space<hbm>> -> memref<512xi32, #tpu.memory_space<hbm>>
      %dma_start3A_104 = arith.constant 0 : i32
      %dma_start3A_105 = tpu.memref_slice %arg5[%arg0, %arg1, %dma_start3A_104] : memref<2x16x512xi32, #tpu.memory_space<hbm>> -> memref<1x1x512xi32, #tpu.memory_space<hbm>>
      %dma_start3A_106 = tpu.memref_squeeze %dma_start3A_105 : memref<1x1x512xi32, #tpu.memory_space<hbm>> -> memref<512xi32, #tpu.memory_space<hbm>>
      tpu.enqueue_dma source(%arg11 : memref<512xi32, #tpu.memory_space<vmem>>) target(%dma_start3A_106 : memref<512xi32, #tpu.memory_space<hbm>>) target_semaphore(%run_scoped3A : memref<!tpu.dma_semaphore, #tpu.memory_space<semaphore_mem>>)
      %dma_wait3A = arith.constant 0 : i32
      %dma_wait3A_107 = tpu.memref_slice %arg5[%arg0, %arg1, %dma_wait3A] : memref<2x16x512xi32, #tpu.memory_space<hbm>> -> memref<1x1x512xi32, #tpu.memory_space<hbm>>
      %dma_wait3A_108 = tpu.memref_squeeze %dma_wait3A_107 : memref<1x1x512xi32, #tpu.memory_space<hbm>> -> memref<512xi32, #tpu.memory_space<hbm>>
      %dma_wait3A_109 = arith.constant 0 : i32
      %dma_wait3A_110 = tpu.memref_slice %arg5[%arg0, %arg1, %dma_wait3A_109] : memref<2x16x512xi32, #tpu.memory_space<hbm>> -> memref<1x1x512xi32, #tpu.memory_space<hbm>>
      %dma_wait3A_111 = tpu.memref_squeeze %dma_wait3A_110 : memref<1x1x512xi32, #tpu.memory_space<hbm>> -> memref<512xi32, #tpu.memory_space<hbm>>
      tpu.wait_dma2 semaphore(%run_scoped3A : memref<!tpu.dma_semaphore, #tpu.memory_space<semaphore_mem>>) src(%arg11 : memref<512xi32, #tpu.memory_space<vmem>>) dst(%dma_wait3A_111 : memref<512xi32, #tpu.memory_space<hbm>>)
      tpu.yield
    }) : () -> ()
    return
  }
}

module attributes {stable_mosaic.version = 14 : i64} {
  func.func @body(%arg0: memref<2x512x4x128xf32, #tpu.memory_space<vmem>>, %arg1: memref<2x16x512xi32, #tpu.memory_space<vmem>>, %arg2: memref<512x128xf32, #tpu.memory_space<vmem>>) attributes {dimension_semantics = [], scalar_prefetch = 0 : i64, scratch_operands = 0 : i64, tpu.core_type = #tpu.core_type<tc>} {
    %get3A = arith.constant 0 : index
    %get3A_0 = arith.constant 0 : index
    %get3A_1 = arith.constant 0 : index
    %get3A_2 = arith.constant 0 : index
    %get3A_3 = vector.load %arg0[%get3A, %get3A_0, %get3A_1, %get3A_2] : memref<2x512x4x128xf32, #tpu.memory_space<vmem>>, vector<2x512x4x128xf32>
    %slice3A = vector.extract_strided_slice %get3A_3 {offsets = [0, 0, 0, 0], sizes = [1, 512, 4, 128], strides = [1, 1, 1, 1]} : vector<2x512x4x128xf32> to vector<1x512x4x128xf32>
    %squeeze3A = vector.shape_cast %slice3A : vector<1x512x4x128xf32> to vector<512x4x128xf32>
    %slice3A_4 = vector.extract_strided_slice %get3A_3 {offsets = [1, 0, 0, 0], sizes = [1, 512, 4, 128], strides = [1, 1, 1, 1]} : vector<2x512x4x128xf32> to vector<1x512x4x128xf32>
    %squeeze3A_5 = vector.shape_cast %slice3A_4 : vector<1x512x4x128xf32> to vector<512x4x128xf32>
    %add3A = arith.addf %squeeze3A, %squeeze3A_5 : vector<512x4x128xf32>
    %slice3A_6 = vector.extract_strided_slice %add3A {offsets = [0, 0, 0], sizes = [512, 1, 128], strides = [1, 1, 1]} : vector<512x4x128xf32> to vector<512x1x128xf32>
    %squeeze3A_7 = vector.shape_cast %slice3A_6 : vector<512x1x128xf32> to vector<512x128xf32>
    %slice3A_8 = vector.extract_strided_slice %add3A {offsets = [0, 1, 0], sizes = [512, 1, 128], strides = [1, 1, 1]} : vector<512x4x128xf32> to vector<512x1x128xf32>
    %squeeze3A_9 = vector.shape_cast %slice3A_8 : vector<512x1x128xf32> to vector<512x128xf32>
    %add3A_10 = arith.addf %squeeze3A_7, %squeeze3A_9 : vector<512x128xf32>
    %slice3A_11 = vector.extract_strided_slice %add3A {offsets = [0, 2, 0], sizes = [512, 1, 128], strides = [1, 1, 1]} : vector<512x4x128xf32> to vector<512x1x128xf32>
    %squeeze3A_12 = vector.shape_cast %slice3A_11 : vector<512x1x128xf32> to vector<512x128xf32>
    %add3A_13 = arith.addf %add3A_10, %squeeze3A_12 : vector<512x128xf32>
    %slice3A_14 = vector.extract_strided_slice %add3A {offsets = [0, 3, 0], sizes = [512, 1, 128], strides = [1, 1, 1]} : vector<512x4x128xf32> to vector<512x1x128xf32>
    %squeeze3A_15 = vector.shape_cast %slice3A_14 : vector<512x1x128xf32> to vector<512x128xf32>
    %add3A_16 = arith.addf %add3A_13, %squeeze3A_15 : vector<512x128xf32>
    %get3A_17 = arith.constant 0 : index
    %get3A_18 = arith.constant 0 : index
    %get3A_19 = arith.constant 0 : index
    %get3A_20 = vector.load %arg1[%get3A_17, %get3A_18, %get3A_19] : memref<2x16x512xi32, #tpu.memory_space<vmem>>, vector<2x16x512xi32>
    %reshape3A = vector.shape_cast %get3A_20 : vector<2x16x512xi32> to vector<32x512xi32>
    %reduce_min3A = arith.constant dense<2147483647> : vector<512xi32>
    %reduce_min3A_21 = vector.multi_reduction <minsi>, %reshape3A, %reduce_min3A [0] : vector<32x512xi32> to vector<512xi32>
    %reshape3A_22 = vector.shape_cast %reduce_min3A_21 : vector<512xi32> to vector<512x1xi32>
    %slice3A_23 = vector.extract_strided_slice %reshape3A_22 {offsets = [1, 0], sizes = [511, 1], strides = [1, 1]} : vector<512x1xi32> to vector<511x1xi32>
    %broadcast_in_dim3A = arith.constant 100000 : i32
    %broadcast_in_dim3A_24 = vector.broadcast %broadcast_in_dim3A : i32 to vector<1x1xi32>
    %concatenate3A = tpu.concatenate %slice3A_23, %broadcast_in_dim3A_24 in 0 : vector<511x1xi32>, vector<1x1xi32> -> vector<512x1xi32>
    %min3A = arith.minsi %reshape3A_22, %concatenate3A : vector<512x1xi32>
    %slice3A_25 = vector.extract_strided_slice %min3A {offsets = [2, 0], sizes = [510, 1], strides = [1, 1]} : vector<512x1xi32> to vector<510x1xi32>
    %broadcast_in_dim3A_26 = arith.constant 100000 : i32
    %broadcast_in_dim3A_27 = vector.broadcast %broadcast_in_dim3A_26 : i32 to vector<2x1xi32>
    %concatenate3A_28 = tpu.concatenate %slice3A_25, %broadcast_in_dim3A_27 in 0 : vector<510x1xi32>, vector<2x1xi32> -> vector<512x1xi32>
    %min3A_29 = arith.minsi %min3A, %concatenate3A_28 : vector<512x1xi32>
    %slice3A_30 = vector.extract_strided_slice %min3A_29 {offsets = [4, 0], sizes = [508, 1], strides = [1, 1]} : vector<512x1xi32> to vector<508x1xi32>
    %broadcast_in_dim3A_31 = arith.constant 100000 : i32
    %broadcast_in_dim3A_32 = vector.broadcast %broadcast_in_dim3A_31 : i32 to vector<4x1xi32>
    %concatenate3A_33 = tpu.concatenate %slice3A_30, %broadcast_in_dim3A_32 in 0 : vector<508x1xi32>, vector<4x1xi32> -> vector<512x1xi32>
    %min3A_34 = arith.minsi %min3A_29, %concatenate3A_33 : vector<512x1xi32>
    %slice3A_35 = vector.extract_strided_slice %min3A_34 {offsets = [8, 0], sizes = [504, 1], strides = [1, 1]} : vector<512x1xi32> to vector<504x1xi32>
    %broadcast_in_dim3A_36 = arith.constant 100000 : i32
    %broadcast_in_dim3A_37 = vector.broadcast %broadcast_in_dim3A_36 : i32 to vector<8x1xi32>
    %concatenate3A_38 = tpu.concatenate %slice3A_35, %broadcast_in_dim3A_37 in 0 : vector<504x1xi32>, vector<8x1xi32> -> vector<512x1xi32>
    %min3A_39 = arith.minsi %min3A_34, %concatenate3A_38 : vector<512x1xi32>
    %slice3A_40 = vector.extract_strided_slice %min3A_39 {offsets = [16, 0], sizes = [496, 1], strides = [1, 1]} : vector<512x1xi32> to vector<496x1xi32>
    %broadcast_in_dim3A_41 = arith.constant 100000 : i32
    %broadcast_in_dim3A_42 = vector.broadcast %broadcast_in_dim3A_41 : i32 to vector<16x1xi32>
    %concatenate3A_43 = tpu.concatenate %slice3A_40, %broadcast_in_dim3A_42 in 0 : vector<496x1xi32>, vector<16x1xi32> -> vector<512x1xi32>
    %min3A_44 = arith.minsi %min3A_39, %concatenate3A_43 : vector<512x1xi32>
    %slice3A_45 = vector.extract_strided_slice %min3A_44 {offsets = [32, 0], sizes = [480, 1], strides = [1, 1]} : vector<512x1xi32> to vector<480x1xi32>
    %broadcast_in_dim3A_46 = arith.constant 100000 : i32
    %broadcast_in_dim3A_47 = vector.broadcast %broadcast_in_dim3A_46 : i32 to vector<32x1xi32>
    %concatenate3A_48 = tpu.concatenate %slice3A_45, %broadcast_in_dim3A_47 in 0 : vector<480x1xi32>, vector<32x1xi32> -> vector<512x1xi32>
    %min3A_49 = arith.minsi %min3A_44, %concatenate3A_48 : vector<512x1xi32>
    %slice3A_50 = vector.extract_strided_slice %min3A_49 {offsets = [64, 0], sizes = [448, 1], strides = [1, 1]} : vector<512x1xi32> to vector<448x1xi32>
    %broadcast_in_dim3A_51 = arith.constant 100000 : i32
    %broadcast_in_dim3A_52 = vector.broadcast %broadcast_in_dim3A_51 : i32 to vector<64x1xi32>
    %concatenate3A_53 = tpu.concatenate %slice3A_50, %broadcast_in_dim3A_52 in 0 : vector<448x1xi32>, vector<64x1xi32> -> vector<512x1xi32>
    %min3A_54 = arith.minsi %min3A_49, %concatenate3A_53 : vector<512x1xi32>
    %slice3A_55 = vector.extract_strided_slice %min3A_54 {offsets = [128, 0], sizes = [384, 1], strides = [1, 1]} : vector<512x1xi32> to vector<384x1xi32>
    %broadcast_in_dim3A_56 = arith.constant 100000 : i32
    %broadcast_in_dim3A_57 = vector.broadcast %broadcast_in_dim3A_56 : i32 to vector<128x1xi32>
    %concatenate3A_58 = tpu.concatenate %slice3A_55, %broadcast_in_dim3A_57 in 0 : vector<384x1xi32>, vector<128x1xi32> -> vector<512x1xi32>
    %min3A_59 = arith.minsi %min3A_54, %concatenate3A_58 : vector<512x1xi32>
    %slice3A_60 = vector.extract_strided_slice %min3A_59 {offsets = [256, 0], sizes = [256, 1], strides = [1, 1]} : vector<512x1xi32> to vector<256x1xi32>
    %broadcast_in_dim3A_61 = arith.constant 100000 : i32
    %broadcast_in_dim3A_62 = vector.broadcast %broadcast_in_dim3A_61 : i32 to vector<256x1xi32>
    %concatenate3A_63 = tpu.concatenate %slice3A_60, %broadcast_in_dim3A_62 in 0 : vector<256x1xi32>, vector<256x1xi32> -> vector<512x1xi32>
    %min3A_64 = arith.minsi %min3A_59, %concatenate3A_63 : vector<512x1xi32>
    %slice3A_65 = vector.extract_strided_slice %min3A_64 {offsets = [1, 0], sizes = [511, 1], strides = [1, 1]} : vector<512x1xi32> to vector<511x1xi32>
    %broadcast_in_dim3A_66 = arith.constant 100000 : i32
    %broadcast_in_dim3A_67 = vector.broadcast %broadcast_in_dim3A_66 : i32 to vector<1x1xi32>
    %concatenate3A_68 = tpu.concatenate %slice3A_65, %broadcast_in_dim3A_67 in 0 : vector<511x1xi32>, vector<1x1xi32> -> vector<512x1xi32>
    %sub3A = arith.subi %concatenate3A_68, %min3A_64 : vector<512x1xi32>
    %convert_element_type3A = arith.sitofp %sub3A : vector<512x1xi32> to vector<512x1xf32>
    %max3A = arith.constant 1.000000e+00 : f32
    %max3A_69 = vector.broadcast %max3A : f32 to vector<512x1xf32>
    %max3A_70 = arith.maximumf %convert_element_type3A, %max3A_69 : vector<512x1xf32>
    %div3A = arith.constant 2.500000e-01 : f32
    %div3A_71 = vector.broadcast %div3A : f32 to vector<512x1xf32>
    %div3A_72 = arith.divf %div3A_71, %max3A_70 : vector<512x1xf32>
    %mul3A = vector.broadcast %div3A_72 : vector<512x1xf32> to vector<512x128xf32>
    %mul3A_73 = arith.mulf %add3A_16, %mul3A : vector<512x128xf32>
    %swap3A = arith.constant 0 : index
    %swap3A_74 = arith.constant 0 : index
    %swap3A_75 = vector.load %arg2[%swap3A, %swap3A_74] : memref<512x128xf32, #tpu.memory_space<vmem>>, vector<512x128xf32>
    tpu.vector_store %arg2[%swap3A, %swap3A_74], %mul3A_73 {strides = array<i32>} : memref<512x128xf32, #tpu.memory_space<vmem>>, vector<512x128xf32>,
    return
  }
}

</mosaic_0001>

<sc_bundles>
// kernel: kernel.4.cloned.1.call-start
scs
__scs_entry_jumppad:
0x0: {  	(pc) =	sbr.rel $0x88, $3  }
0x1: {  	(tag) =	ssettag $0x0;
	lr =	simm.s32 $0x1  }
0x2: {  	[smem:$0x3F9F] =	sst lr;
	_ =	strace $0xD0000000  }
0x3: {  	_ = 	snop  }
0x4: {  	_ = 	snop  }
0x5: {  	_ = 	snop  }
0x6: {  	_ = 	snop  }
0x7: {  	_ = 	snop  }
__scs_overlays_trampoline_lowered:
0x8: {  	[smem:$0x3FAE] =	sst s0  }
0x9: {  	[smem:$0x3FAF] =	sst s1  }
0xa: {  	[smem:$0x3FB0] =	sst s2  }
0xb: {  	[smem:$0x3FB1] =	sst s3  }
0xc: {  	[smem:$0x3FB2] =	sst s4  }
0xd: {  	[smem:$0x3FB3] =	sst s5  }
0xe: {  	[smem:$0x3FB4] =	sst s6  }
0xf: {  	[smem:$0x3FB5] =	sst s7  }
0x10: {  	[smem:$0x3FB6] =	sst s8  }
0x11: {  	[smem:$0x3FB7] =	sst s9;
	s0 =	simm.s32 @!p0 $0x0  }
0x12: {  	s1 =	sld [smem:$0x3F9D];
	s0 =	simm.s32 @p0 $0x1  }
0x13: {  	[smem:$0x3FB8] =	sst s0;
	s0 =	simm.s32 @!p1 $0x0  }
0x14: {  	s2 =	sld [smem:$0x3F9C];
	s0 =	simm.s32 @p1 $0x1  }
0x15: {  	[smem:$0x3FB9] =	sst s0;
	s0 =	simm.s32 @!p2 $0x0  }
0x16: {  	s3 =	sld [smem:$0x3FDB];
	s0 =	simm.s32 @p2 $0x1  }
0x17: {  	s4 =	simm.s32 $0x1BF5;
	[smem:$0x3FBB] =	sst s0  }
0x18: {  	s0 =	sld [smem:$0x3F9E];
	_ =	swait.ge [sflag:s4], $0x0  }
0x19: {  	s7 =	sld [smem:$0x3F9F]  }
0x1a: {  	s8 =	sadd.s32 $0xFFFFE003, lr  }
0x1b: {  	s9 =	sadd.s32 $0xFFFFFEF7, lr;
	s5 =	simm.s32 $0xFFFFFFFF;
	p2 =	slt.u32 s8, $0xFFFFF086  }
0x1c: {  	p1 =	slt.u32 s9, $0xF7A;
	s5 =	simm.s32 @!p2 $0x0  }
0x1d: {  	s5 =	simm.s32 @p1 $0x1;
	p0 =	seq.s32 s7, s2  }
0x1e: {  	s7 =	smul.u32 @!p0 $0xF7A, s2;
	p2 =	seq.s32 @!p0 s5, $0x0  }
0x1f: {  	s9 =	smul.u32 $0xF7A, s1;
	s8 =	simm.s32 @!p0 $0x1BF5;
	p2 =	por !p2, p0  }
0x20: {  	[sflag:s8] =	ssyncset.s32 @!p0 $0xFFFFF086;
	s6 =	sadd.s32 @!p0 s3, s7;
	s7 =	simm.s32 @!p0 $0x108  }
0x21: {  	s3 =	sadd.s32 s3, s9;
	s6 =	sadd.s32 @!p0 $0x88, s6;
	s7 =	simm.s32 @p2 $0x1082  }
0x22: {  	[simem:s7], [sflag:s8] =	dma.local @!p0 [hbm:s6], $0xF7A  }
0x23: {  	s9 =	sor.u32 $0xD0000000, s2;
	s6 =	simm.s32 $0x108;
	_ =	swait.ge @!p0 [sflag:s8], $0x0  }
0x24: {  	s3 =	sadd.s32 $0x88, s3;
	s6 =	simm.s32 @!p1 $0x1082;
	[sflag:s4] =	ssyncset.s32 $0xFFFFF086  }
0x25: {  	[simem:s6], [sflag:s4] =	dma.local [hbm:s3], $0xF7A  }
0x26: {  	[smem:$0x3F9F] =	sst s1;
	(tag) =	ssettag s2;
	_ =	strace s9  }
0x27: {  	s1 =	sld [smem:$0x3FAF]  }
0x28: {  	s2 =	sld [smem:$0x3FB0]  }
0x29: {  	s4 =	sld [smem:$0x3FB2]  }
0x2a: {  	p0 =	seq.s32 s5, $0x0;
	s5 =	sld [smem:$0x3FB3]  }
0x2b: {  	s6 =	sld [smem:$0x3FB4]  }
0x2c: {  	s7 =	sld [smem:$0x3FB5]  }
0x2d: {  	s3 =	simm.s32 $0x108;
	s8 =	sld [smem:$0x3FB6]  }
0x2e: {  	s3 =	simm.s32 @!p0 $0x1082;
	s9 =	sld [smem:$0x3FB7]  }
0x2f: {  	lr =	sadd.s32 s0, s3;
	s0 =	sld [smem:$0x3FAE]  }
0x30: {  	s3 =	sld [smem:$0x3FB1]  }
0x31: {  	[smem:$0x3FBA] =	sst s10  }
0x32: {  	s10 =	sld [smem:$0x3FB8];
	_ =	sdelay $0x3  }
0x33: {  	p0 =	seq.s32 s10, $0x1;
	s10 =	sld [smem:$0x3FBA];
	_ =	sdelay $0x3  }
0x34: {  	[smem:$0x3FBA] =	sst s10  }
0x35: {  	s10 =	sld [smem:$0x3FB9];
	_ =	sdelay $0x3  }
0x36: {  	p1 =	seq.s32 s10, $0x1;
	s10 =	sld [smem:$0x3FBA];
	_ =	sdelay $0x3  }
0x37: {  	[smem:$0x3FBA] =	sst s10  }
0x38: {  	s10 =	sld [smem:$0x3FBB]  }
0x39: {  	_ = 	snop;
	(pc) =	sbr.ind lr, $3  }
0x3a: {  	_ = 	snop  }
0x3b: {  	_ = 	snop  }
0x3c: {  	p2 =	seq.s32 s10, $0x1;
	s10 =	sld [smem:$0x3FBA]  }
0x3d: {  	_ =	shalt  }
0x3e: {  	_ =	shalt  }
0x3f: {  	_ =	shalt  }
0x40: {  	_ =	shalt  }
0x41: {  	_ =	shalt  }
0x42: {  	_ =	shalt  }
0x43: {  	_ =	shalt  }
0x44: {  	_ =	shalt  }
0x45: {  	_ =	shalt  }
0x46: {  	_ =	shalt  }
0x47: {  	_ =	shalt  }
0x48: {  	_ =	shalt  }
0x49: {  	_ =	shalt  }
0x4a: {  	_ =	shalt  }
0x4b: {  	_ =	shalt  }
0x4c: {  	_ =	shalt  }
0x4d: {  	_ =	shalt  }
0x4e: {  	_ =	shalt  }
0x4f: {  	_ =	shalt  }
0x50: {  	_ =	shalt  }
0x51: {  	_ =	shalt  }
0x52: {  	_ =	shalt  }
0x53: {  	_ =	shalt  }
0x54: {  	_ =	shalt  }
0x55: {  	_ =	shalt  }
0x56: {  	_ =	shalt  }
0x57: {  	_ =	shalt  }
0x58: {  	_ =	shalt  }
0x59: {  	_ =	shalt  }
0x5a: {  	_ =	shalt  }
0x5b: {  	_ =	shalt  }
0x5c: {  	_ =	shalt  }
0x5d: {  	_ =	shalt  }
0x5e: {  	_ =	shalt  }
0x5f: {  	_ =	shalt  }
0x60: {  	_ =	shalt  }
0x61: {  	_ =	shalt  }
0x62: {  	_ =	shalt  }
0x63: {  	_ =	shalt  }
0x64: {  	_ =	shalt  }
0x65: {  	_ =	shalt  }
0x66: {  	_ =	shalt  }
0x67: {  	_ =	shalt  }
0x68: {  	_ =	shalt  }
0x69: {  	_ =	shalt  }
0x6a: {  	_ =	shalt  }
0x6b: {  	_ =	shalt  }
0x6c: {  	_ =	shalt  }
0x6d: {  	_ =	shalt  }
0x6e: {  	_ =	shalt  }
0x6f: {  	_ =	shalt  }
0x70: {  	_ =	shalt  }
0x71: {  	_ =	shalt  }
0x72: {  	_ =	shalt  }
0x73: {  	_ =	shalt  }
0x74: {  	_ =	shalt  }
0x75: {  	_ =	shalt  }
0x76: {  	_ =	shalt  }
0x77: {  	_ =	shalt  }
0x78: {  	_ =	shalt  }
0x79: {  	_ =	shalt  }
0x7a: {  	_ =	shalt  }
0x7b: {  	_ =	shalt  }
0x7c: {  	_ =	shalt  }
0x7d: {  	_ =	shalt  }
0x7e: {  	_ =	shalt  }
0x7f: {  	_ =	shalt  }
0x80: {  	_ =	shalt  }
0x81: {  	_ =	shalt  }
0x82: {  	_ =	shalt  }
0x83: {  	_ =	shalt  }
0x84: {  	_ =	shalt  }
0x85: {  	_ =	shalt  }
0x86: {  	_ =	shalt  }
0x87: {  	_ =	shalt  }
.Lfunc_end0:
.L_simem_size_0:
called_computation_lowered:
.L_overlay_start_0:
0x88: {  	s2 =	sld [smem:$0x3FD9]  }
0x89: {  	s3 =	sld [smem:$0x3FFE];
	_ =	sdelay $0x1  }
0x8a: {  	s1 =	srdreg.scid  }
0x8b: {  	s0 =	sand.u32 $0x1, s1  }
0x8c: {  	s17 =	sshll.u32 s0, $0xA;
	s2 =	sadd.s32 s3, s2  }
0x8d: {  	s2 =	sadd.s32 s2, s17  }
0x8e: {  	[smem:$0x3FC6] =	sst s2  }
0x8f: {  	_ = 	snop  }
0x90: {  	s2 =	sld [smem:$0x3FC9]  }
0x91: {  	s18 =	sld [smem:$0x3FC8]  }
0x92: {  	s4 =	sld [smem:$0x3FD0];
	(tm) =	ssettm $0x1  }
0x93: {  	s5 =	sld [smem:$0x3FFB];
	_ =	sdelay $0x3  }
0x94: {  	_ =	strace s5  }
0x95: {  	s5 =	sld [smem:$0x3FFC];
	_ =	sdelay $0x3  }
0x96: {  	_ =	strace s5  }
0x97: {  	s5 =	sld [smem:$0x3FFD];
	_ =	sdelay $0x3  }
0x98: {  	_ =	strace s5  }
0x99: {  	_ =	strace $0x8FFFFFFF  }
0x9a: {  	s19 =	sld [smem:$0x3FDB];
	_ =	sdelay $0x1  }
0x9b: {  	s6 =	simm.s32 $_scs_section_size  }
0x9c: {  	s7 =	simm.s32 $_size__tile_overlayer_lowered;
	s8 =	simm.s32 $_tile_overlayer_lowered  }
0x9d: {  	s22 =	simm.s32 $0x1BFF;
	s21 =	sshll.u32 s8, $0x1;
	s5 =	sadd.s32 s6, s19  }
0x9e: {  	s9 =	simm.s32 $0x0;
	s20 =	sshll.u32 s7, $0x1;
	s7 =	sadd.s32 s21, s5  }
0x9f: {  	[timem:s9], [sflag:s22] =	dma.local [hbm:s7], s20  }
0xa0: {  	_ =	swait.ge [sflag:s22], s20  }
0xa1: {  	s6 =	ssub.s32 $0x0, s20;
	[sflag:s22] =	ssyncset.done $0x0  }
0xa2: {  	[sflag:s22] =	ssyncadd.s32 s6;
	_ =	sdelay $0x1  }
0xa3: {  	s23 =	simm.s32 $0x1B8B  }
0xa4: {  	_ =	swait.ge [sflag:s23], $0x1  }
0xa5: {  	[sflag:s23] =	ssyncset.done $0x0  }
0xa6: {  	s25 =	simm.s32 $0x1B8E;
	s24 =	sld [smem:$0x3FFE];
	[sflag:s23] =	ssyncadd.s32 $0xFFFFFFFF  }
0xa7: {  	s26 =	simm.s32 $execute0_lowered;
	[smem:$0x3FD2] =	sst s25  }
0xa8: {  	s7 =	sshll.u32 s26, $0x1;
	_ =	strace $0x80000046;
	[dreg:$0x1] =	wrdreg $0xFFFFFFFF  }
0xa9: {  	s28 =	simm.s32 $_size_execute0_lowered;
	s5 =	sadd.s32 s5, s7;
	[dreg:$0x0] =	wrdreg $0x0  }
0xaa: {  	s7 =	sshll.u32 s28, $0x1;
	[dreg:$0x2] =	wrdreg s5  }
0xab: {  	[dreg:$0x3] =	wrdreg s7  }
0xac: {  	[dreg:$0x4] =	wrdreg $0xC0  }
0xad: {  	_ =	task [dreg:s9], $0x5FFFF  }
0xae: {  	[dreg:$0x1] =	wrdreg $0xFFFFFFFF  }
0xaf: {  	[dreg:$0x0] =	wrdreg $0x60  }
0xb0: {  	[dreg:$0x2] =	wrdreg s2  }
0xb1: {  	[dreg:$0x3] =	wrdreg s18  }
0xb2: {  	[dreg:$0x4] =	wrdreg s24  }
0xb3: {  	[dreg:$0x5] =	wrdreg s4  }
0xb4: {  	[dreg:$0x6] =	wrdreg $0x110000  }
0xb5: {  	[dreg:$0x7] =	wrdreg $0x9  }
0xb6: {  	_ =	task.clear_ibuf [dreg:s9], $0x8FFFF;
	_ =	strace $0x90000046  }
0xb7: {  	s29 =	simm.s32 $0x9;
	_ =	strace $0x80000048  }
0xb8: {  	_ =	swait.ge [sflag:s29], $0x1  }
0xb9: {  	[sflag:s29] =	ssyncadd.s32 $0xFFFFFFFF  }
0xba: {  	_ =	strace $0x90000048  }
0xbb: {  	_ =	sfence  }
0xbc: {  	s30 =	sld [smem:$0x0];
	_ =	sdelay $0x2  }
0xbd: {  	s31 =	sshll.u32 s1, $0xD;
	s1 =	sshrl.u32 s1, $0x2  }
0xbe: {  	s3 =	sand.u32 $0x4000, s31;
	s1 =	sadd.s32 s1, s30  }
0xbf: {  	s0 =	sor.u32 s3, s0;
	s1 =	sshll.u32 s1, $0x11  }
0xc0: {  	s0 =	sor.u32 s1, s0  }
0xc1: {  	s0 =	sadd.s32 $0x8F2B, s0  }
0xc2: {  	[sflag:s0] =	ssyncadd.remote.s32 $0x1  }
0xc3: {  	_ =	sfence.sel $0xFFFF  }
0xc4: {  	[dreg:$0x0] =	wrdreg $0xFFFFFFFF;
	(pc) =	sbr.abs _section_cstart, $3  }
0xc5: {  	[dreg:$0x1] =	wrdreg $0xFFFFFFFF  }
0xc6: {  	_ =	task.clear_ibuf [dreg:s9], $0x2FFFF;
	_ =	strace $0x9FFFFFFF  }
0xc7: {  	(tm) =	ssettm $0x7FFFFFFF  }
tec
execute0_lowered:
.L_overlay_start_1:
0x0: {  	(tag) =	ssettag $0x1  }
0x1: {  	s1 =	rddreg [dreg:$0x0]  }
0x2: {  	s2 =	rddreg [dreg:$0x1]  }
0x3: {  	s0 =	rddreg [dreg:$0x2]  }
0x4: {  	s3 =	rddreg [dreg:$0x3]  }
0x5: {  	s4 =	rddreg [dreg:$0x4]  }
0x6: {  	s6 =	srdreg.scid;
	s26 =	stileid.u32;
	s5 =	simm.s32 $0x0  }
0x7: {  	s28 =	simm.s32 $0x400;
	s29 =	simm.s32 $0x0;
	s19 =	sand.u32 $0x1, s6  }
0x8: {  	s10 =	sshll.u32 s26, $0x1;
	s7 =	sshll.u32 s26, $0xE;
	[smem:$0x7FF] =	sst s5  }
0x9: {  	s15 =	sadd.s32 $0x2F78, s2;
	s23 =	smul.u32 $0x1880, s26;
	s30 =	sshll.u32 s26, $0xD  }
0xa: {  	s8 =	sshll.u32 s19, $0x12;
	s20 =	sor.u32 s19, s10;
	_ =	strace $0x80000047  }
0xb: {  	s12 =	ssub.s32 $0x2, s19;
	[dreg:$0x7] =	wrdreg s15;
	s25 =	sor.u32 s26, s19  }
0xc: {  	s15 =	sshll.u32 s19, $0xA;
	s24 =	smul.u32 $0xC40, s19;
	s11 =	sor.u32 s7, s8  }
0xd: {  	s9 =	smul.u32 $0xC40, s20;
	s13 =	sshrl.u32 s12, $0x1;
	s18 =	sshll.u32 s20, $0xC  }
0xe: {  	s21 =	sshll.u32 s20, $0x3;
	s22 =	ssub.s32 $0x619, s20;
	s3 =	sadd.s32 s3, s15  }
0xf: {  	p0 =	seq.s32 s20, $0x0;
	p3 =	sne.s32 s25, $0x0;
	s25 =	simm.s32 $0x10000  }
0x10: {  	s6 =	sshrl.u32 s11, $0x3;
	s17 =	ssub.s32 s12, s13;
	s11 =	sadd.s32 s2, s21  }
0x11: {  	s12 =	sadd.s32 $0x61A000, s1;
	s13 =	sshll.u32 s26, $0x6;
	s31 =	sand.u32 $0x20, s22  }
0x12: {  	s22 =	sshrl.u32 s22, $0x5;
	s21 =	sor.u32 $0x100, s21;
	p1 =	seq.s32 @!p0 s20, $0x1F  }
0x13: {  	s0 =	sadd.s32 s6, s0;
	s10 =	sadd.s32 $0xFFFFFFF8, s9;
	s6 =	sadd.s32 s7, s4  }
0x14: {  	s9 =	sshrl.u32 s9, $0x3;
	s17 =	smax.u32 s17, $0x1;
	[dreg:$0x6] =	wrdreg s22  }
0x15: {  	s22 =	simm.s32 $0x3;
	p1 =	por p0, !p1;
	p2 =	seq.s32 s31, $0x0  }
0x16: {  	v0 =	vimm.s32 $0xEDCBA987;
	s14 =	sshrl.u32 s10, $0x3;
	s16 =	sadd.s32 s2, s9;
	s10 =	sadd.s32 s1, s18  }
0x17: {  	v1 =	vimm.s32 $0x65432100;
	v0 =	vunpack.c.l.s4.s8 v0;
	s18 =	sshll.u32 s26, $0x4;
	[dreg:$0x8] =	wrdreg s16;
	s16 =	sand.u32 $0x200, s13  }
0x18: {  	v2 =	vunpack.c.l.s4.s8 v1;
	s15 =	sadd.s32 $0xC00, s0;
	s18 =	sand.u32 $0x70, s18;
	s3 =	sadd.s32 s16, s3  }
0x19: {  	v4 =	vunpack.c.0.s8.s32 v0;
	s7 =	sadd.s32 s2, s14;
	s14 =	sadd.s32 $0x30D0, s2;
	s16 =	sadd.s32 s18, s3  }
0x1a: {  	v3 =	vimm.s32 $0xF;
	vm0 =	vmmov $0x1;
	v5 =	vunpack.c.0.s8.s32 v2;
	s18 =	sadd.s32 s24, s23;
	s23 =	sshll.u32 s26, $0x7;
	s24 =	sshll.u32 s19, $0x6  }
0x1b: {  	v1 =	vimm.s32 $0x186A0;
	v0 =	vimm.f32 $0.0e+00;
	v4 =	vand.u32 $0xF, v4;
	s19 =	sshll.u32 s19, $0xC;
	s26 =	simm.s32 $0x80;
	s3 =	sor.u32 s24, s23  }
0x1c: {  	v2 =	vimm.s32 $0xFFFFFFFF;
	v4 =	vcombine.low v5, v4;
	v5 =	vlaneseq.u32;
	s0 =	sor.u32 s19, s30;
	s24 =	simm.s32 $0x10D80;
	s3 =	sor.u32 $0x800, s3  }
.LBB2_1:
0x1d: {  	s30 =	simm.s32 $0x100  }
0x1e: {  	[tilespmem:s30+$0xFFFFFF10] =	vst v0  }
0x1f: {  	[tilespmem:s30+$0xFFFFFF20] =	vst v0  }
0x20: {  	[tilespmem:s30+$0xFFFFFF30] =	vst v0  }
0x21: {  	[tilespmem:s30+$0xFFFFFF40] =	vst v0  }
0x22: {  	[tilespmem:s30+$0xFFFFFF50] =	vst v0  }
0x23: {  	[tilespmem:s30+$0xFFFFFF60] =	vst v0  }
0x24: {  	[tilespmem:s30+$0xFFFFFF70] =	vst v0  }
0x25: {  	[tilespmem:s30+$0xFFFFFF80] =	vst v0  }
0x26: {  	[tilespmem:s30+$0xFFFFFF90] =	vst v0  }
0x27: {  	[tilespmem:s30+$0xFFFFFFA0] =	vst v0  }
0x28: {  	[tilespmem:s30+$0xFFFFFFB0] =	vst v0  }
0x29: {  	[tilespmem:s30+$0xFFFFFFC0] =	vst v0  }
0x2a: {  	[tilespmem:s30+$0xFFFFFFD0] =	vst v0  }
0x2b: {  	[tilespmem:s30+$0xFFFFFFE0] =	vst v0  }
0x2c: {  	[tilespmem:s30+$0xFFFFFFF0] =	vst v0  }
0x2d: {  	[tilespmem:s30+$0x0] =	vst v0  }
0x2e: {  	[tilespmem:s30+$0x10] =	vst v0  }
0x2f: {  	[tilespmem:s30+$0x20] =	vst v0  }
0x30: {  	[tilespmem:s30+$0x30] =	vst v0  }
0x31: {  	[tilespmem:s30+$0x40] =	vst v0  }
0x32: {  	[tilespmem:s30+$0x50] =	vst v0  }
0x33: {  	[tilespmem:s30+$0x60] =	vst v0  }
0x34: {  	[tilespmem:s30+$0x70] =	vst v0  }
0x35: {  	[tilespmem:s30+$0x80] =	vst v0  }
0x36: {  	[tilespmem:s30+$0x90] =	vst v0  }
0x37: {  	[tilespmem:s30+$0xA0] =	vst v0  }
0x38: {  	[tilespmem:s30+$0xB0] =	vst v0  }
0x39: {  	[tilespmem:s30+$0xC0] =	vst v0  }
0x3a: {  	[tilespmem:s30+$0xD0] =	vst v0  }
0x3b: {  	[tilespmem:s30+$0xE0] =	vst v0  }
0x3c: {  	[tilespmem:s30+$0xF0] =	vst v0  }
0x3d: {  	s19 =	simm.s32 $0x0;
	s31 =	simm.s32 $0x40;
	[tilespmem:s30+$0xFFFFFF00] =	vst v0  }
.LBB2_2:
0x3e: {  	p4 =	sne.s32 s31, $0x7C0;
	[tilespmem:s19+$0x10D80] =	vst v1;
	s30 =	sadd.s32 $0x200, s30  }
0x3f: {  	[tilespmem:s30+$0xFFFFFF10] =	vst v0  }
0x40: {  	[tilespmem:s30+$0xFFFFFF20] =	vst v0  }
0x41: {  	[tilespmem:s30+$0xFFFFFF30] =	vst v0  }
0x42: {  	[tilespmem:s30+$0xFFFFFF40] =	vst v0  }
0x43: {  	[tilespmem:s30+$0xFFFFFF50] =	vst v0  }
0x44: {  	[tilespmem:s30+$0xFFFFFF60] =	vst v0  }
0x45: {  	[tilespmem:s30+$0xFFFFFF70] =	vst v0  }
0x46: {  	[tilespmem:s30+$0xFFFFFF80] =	vst v0  }
0x47: {  	[tilespmem:s30+$0xFFFFFF90] =	vst v0  }
0x48: {  	[tilespmem:s30+$0xFFFFFFA0] =	vst v0  }
0x49: {  	[tilespmem:s30+$0xFFFFFFB0] =	vst v0  }
0x4a: {  	[tilespmem:s30+$0xFFFFFFC0] =	vst v0  }
0x4b: {  	[tilespmem:s30+$0xFFFFFFD0] =	vst v0  }
0x4c: {  	[tilespmem:s30+$0xFFFFFFE0] =	vst v0  }
0x4d: {  	[tilespmem:s30+$0xFFFFFFF0] =	vst v0  }
0x4e: {  	[tilespmem:s30+$0x0] =	vst v0  }
0x4f: {  	[tilespmem:s30+$0x10] =	vst v0  }
0x50: {  	[tilespmem:s30+$0x20] =	vst v0  }
0x51: {  	[tilespmem:s30+$0x30] =	vst v0  }
0x52: {  	[tilespmem:s30+$0x40] =	vst v0  }
0x53: {  	[tilespmem:s30+$0x50] =	vst v0  }
0x54: {  	[tilespmem:s30+$0x60] =	vst v0  }
0x55: {  	[tilespmem:s30+$0x70] =	vst v0  }
0x56: {  	[tilespmem:s30+$0x80] =	vst v0  }
0x57: {  	[tilespmem:s30+$0x90] =	vst v0  }
0x58: {  	[tilespmem:s30+$0xA0] =	vst v0  }
0x59: {  	[tilespmem:s30+$0xB0] =	vst v0  }
.Ltmp0:
0x5a: {  	[tilespmem:s30+$0xC0] =	vst v0;
	(pc) =	sbr.rel @p4 .LBB2_2-.Ltmp0, $4  }
0x5b: {  	[tilespmem:s30+$0xD0] =	vst v0  }
0x5c: {  	[tilespmem:s30+$0xE0] =	vst v0  }
0x5d: {  	[tilespmem:s30+$0xF0] =	vst v0  }
0x5e: {  	s19 =	sshra.s32 s31, $0x2;
	s31 =	sadd.s32 $0x40, s31;
	[tilespmem:s30+$0xFFFFFF00] =	vst v0  }
0x5f: {  	[tilespmem:s19+$0x10D80] =	vst v1  }
0x60: {  	[spmem:s6] =	stream.linear.scatter [tilespmem:s5], [sflag:$0x3], $0x4000, $0x38;
	[tilespmem:$0x15000] =	vst v63  }
0x61: {  	_ =	swait.ge [sflag:s22], $0x4000  }
0x62: {  	[sflag:s22] =	ssyncset.done $0x0  }
0x63: {  	[sflag:s22] =	ssyncadd.s32 $0xFFFFC000  }
0x64: {  	[bflag:$0x0] =	sbarrier.arrive $0xFFFF  }
0x65: {  	s19 =	simm.s32 @!p0 $0x0;
	s20 =	simm.s32 @!p0 $0x10108;
	[tilespmem:$0x10100] =	vst v2  }
0x66: {  	[tilespmem:s20], [sflag:$0x3] =	stream.linear.gather @!p0 [hbm4b:s7+s19], $0x8, $0x38;
	[tilespmem:$0x15000] =	vst v63  }
0x67: {  	s19 =	simm.s32 @!p0 $0x3  }
0x68: {  	_ =	swait.ge @!p0 [sflag:s19], $0x8  }
0x69: {  	[sflag:s19] =	ssyncset.done @!p0 $0x0  }
0x6a: {  	s9 =	simm.s32 @!p1 $0x10110;
	s8 =	rddreg @!p1 [dreg:$0x7];
	[sflag:s19] =	ssyncadd.s32 @!p0 $0xFFFFFFF8  }
0x6b: {  	[tilespmem:s9], [sflag:$0x3] =	stream.linear.gather @!p1 [hbm4b:s8+s5], $0xAE0, $0x38;
	[tilespmem:$0x15000] =	vst v63  }
0x6c: {  	_ =	swait.ge @!p1 [sflag:s22], $0xAE0  }
0x6d: {  	[sflag:s22] =	ssyncset.done @!p1 $0x0  }
0x6e: {  	s9 =	simm.s32 @p1 $0x10110;
	s8 =	rddreg @p1 [dreg:$0x8];
	[sflag:s22] =	ssyncadd.s32 @!p1 $0xFFFFF520  }
0x6f: {  	[tilespmem:s9], [sflag:$0x3] =	stream.linear.gather @p1 [hbm4b:s8+s5], $0xC40, $0x38;
	[tilespmem:$0x15000] =	vst v63  }
0x70: {  	_ =	swait.ge @p1 [sflag:s22], $0xC40  }
0x71: {  	s19 =	simm.s32 @!p1 $0xAE;
	[sflag:s22] =	ssyncset.done @p1 $0x0  }
0x72: {  	s19 =	simm.s32 @p1 $0xC4;
	[sflag:s22] =	ssyncadd.s32 @p1 $0xFFFFF3C0  }
0x73: {  	p5 =	sne.s32 s19, $0x1;
	v6 =	vld [tilespmem:$0x10100]  }
.Ltmp1:
0x74: {  	_ = 	snop;
	(pc) =	sbr.rel @!p5 .LBB2_4-.Ltmp1, $3  }
0x75: {  	_ =	sdelay $0x1  }
0x76: {  	s31 =	simm.s32 $0x10110  }
0x77: {  	p4 =	por $0x0, $0x0;
	s19 =	sadd.s32 $0xFFFFFFFF, s19;
	v7 =	vperm.xlane v6, v3;
	v6 =	vld [tilespmem:s31+$0x0]  }
0x78: {  	_ =	sdelay $0x3  }
0x79: {  	v8 =	vperm.xlane v6, v4;
	_ =	sdelay $0x1  }
0x7a: {  	v7 =	vsel vm0, v7, v8  }
0x7b: {  	vm1 =	vne.s32 v6, v7;
	_ =	sdelay $0x1  }
0x7c: {  	p5 =	sne.s32 s19, $0x1  }
.Ltmp2:
0x7d: {  	_ = 	snop;
	(pc) =	sbr.rel @!p5 .LBB2_6-.Ltmp2, $4  }
0x7e: {  	_ = 	snop  }
0x7f: {  	v8 =	vor.u32 s18, v5  }
0x80: {  	s20 =	simm.s32 $0x10120;
	[tilespmem:v6+s24+$0x0] =	vst.idx.msk vm1, v8  }
0x81: {  	s30 =	sadd.s32 $0xFFFFFFFF, s19;
	p4 =	por $0x1, $0x1;
	s19 =	smov.u32 s18;
	v7 =	vperm.xlane v6, v3;
	v6 =	vld [tilespmem:s20+$0x0]  }
.LBB2_7:
0x82: {  	p5 =	sne.s32 s30, $0x1;
	_ =	sdelay $0x3  }
0x83: {  	v8 =	vperm.xlane v6, v4;
	v9 =	vperm.xlane v6, v3;
	_ =	sdelay $0x1  }
0x84: {  	v8 =	vsel vm0, v7, v8;
	v7 =	vmov v9  }
0x85: {  	vm1 =	vne.s32 v6, v8;
	_ =	sdelay $0x2  }
.Ltmp3:
0x86: {  	(pc) =	sbr.rel @p5 .LBB2_7-.Ltmp3, $4  }
0x87: {  	s19 =	sadd.s32 $0x10, s19  }
0x88: {  	v8 =	vor.u32 s19, v5  }
0x89: {  	s20 =	sadd.s32 $0x10, s20;
	[tilespmem:v6+s24+$0x0] =	vst.idx.msk vm1, v8  }
0x8a: {  	s30 =	sadd.s32 $0xFFFFFFFF, s30;
	v6 =	vld [tilespmem:s20+$0x0]  }
.LBB2_8:
0x8b: {  	_ =	sdelay $0x3  }
0x8c: {  	v8 =	vperm.xlane v6, v4;
	_ =	sdelay $0x1  }
0x8d: {  	v7 =	vsel vm0, v7, v8  }
0x8e: {  	vm1 =	vne.s32 v6, v7;
	_ =	sdelay $0x2  }
0x8f: {  	s19 =	sadd.s32 @p4 $0x10, s19;
	s20 =	smov.u32 s18  }
0x90: {  	s20 =	smov.u32 @p4 s19  }
0x91: {  	v7 =	vor.u32 s20, v5  }
0x92: {  	s30 =	simm.s32 $0x0;
	[tilespmem:v6+s24+$0x0] =	vst.idx.msk vm1, v7  }
0x93: {  	[tilespmem:s30], [sflag:$0x1] =	stream.linear.gather [hbm4b:s10+s30], $0x8000, $0x38;
	[tilespmem:$0x15000] =	vst v63  }
0x94: {  	s31 =	smov.u32 s21;
	s19 =	smov.u32 s0;
	s20 =	smov.u32 s3  }
0x95: {  	[tilespmem:s25], [sflag:$0x1] =	stream.linear.gather [hbm4b:s11+s30], $0x40, $0x38;
	[tilespmem:$0x15000] =	vst v63  }
.LBB2_9:
0x96: {  	s8 =	sand.u32 $0x1, s30  }
0x97: {  	p4 =	seq.s32 s8, $0x1  }
0x98: {  	s8 =	sadd.s32 @p4 $0x20000, s19  }
0x99: {  	s8 =	sand.u32 @p4 $0x1FFDF000, s8  }
0x9a: {  	s9 =	simm.s32 @p4 $0x0;
	s8 =	sadd.s32 @p4 s1, s8  }
0x9b: {  	[tilespmem:s9], [sflag:$0x1] =	stream.linear.gather @p4 [hbm4b:s8+s9], $0x8000, $0x38;
	[tilespmem:$0x15000] =	vst v63  }
0x9c: {  	s8 =	sshrl.u32 @p4 s20, $0x3  }
0x9d: {  	s23 =	simm.s32 @p4 $0x10000;
	s8 =	sadd.s32 @p4 s2, s8  }
0x9e: {  	[tilespmem:s23], [sflag:$0x1] =	stream.linear.gather @p4 [hbm4b:s8+s9], $0x40, $0x38;
	[tilespmem:$0x15000] =	vst v63  }
0x9f: {  	s8 =	simm.s32 @p4 $0x2  }
0xa0: {  	_ =	swait.ge @p4 [sflag:s8], $0x8000  }
0xa1: {  	[sflag:s8] =	ssyncset.done @p4 $0x0  }
0xa2: {  	[sflag:s8] =	ssyncadd.s32 @p4 $0xFFFF8000  }
0xa3: {  	_ =	swait.ge @p4 [sflag:s8], $0x40  }
0xa4: {  	s9 =	simm.s32 @p4 $0x10080;
	[sflag:s8] =	ssyncset.done @p4 $0x0  }
0xa5: {  	s23 =	simm.s32 @p4 $0x8000;
	[sflag:s8] =	ssyncadd.s32 @p4 $0xFFFFFFC0;
	s8 =	simm.s32 @p4 $0x40  }
0xa6: {  	[spmem:s4] =	stream.indirect.scatter.add.f32 @p4 [tilespmem:s23], [sflag:$0x3], $0x200, s9, s8, $0xb8;
	[tilespmem:$0x15000] =	vst v63  }
0xa7: {  	s8 =	sadd.s32 @!p4 $0x20000, s19  }
0xa8: {  	s8 =	sand.u32 @!p4 $0x1FFFF000, s8  }
0xa9: {  	s9 =	simm.s32 @!p4 $0x0;
	s23 =	simm.s32 @!p4 $0x8000;
	s8 =	sadd.s32 @!p4 s1, s8  }
0xaa: {  	[tilespmem:s23], [sflag:$0x2] =	stream.linear.gather @!p4 [hbm4b:s8+s9], $0x8000, $0x38;
	[tilespmem:$0x15000] =	vst v63  }
0xab: {  	s8 =	sand.u32 @!p4 $0x1FFFFFF8, s31  }
0xac: {  	s23 =	simm.s32 @!p4 $0x10080;
	s8 =	sadd.s32 @!p4 s2, s8  }
0xad: {  	[tilespmem:s23], [sflag:$0x2] =	stream.linear.gather @!p4 [hbm4b:s8+s9], $0x40, $0x38;
	[tilespmem:$0x15000] =	vst v63  }
0xae: {  	s8 =	simm.s32 @!p4 $0x1  }
0xaf: {  	_ =	swait.ge @!p4 [sflag:s8], $0x8000  }
0xb0: {  	[sflag:s8] =	ssyncset.done @!p4 $0x0  }
0xb1: {  	[sflag:s8] =	ssyncadd.s32 @!p4 $0xFFFF8000  }
0xb2: {  	_ =	swait.ge @!p4 [sflag:s8], $0x40  }
0xb3: {  	[sflag:s8] =	ssyncset.done @!p4 $0x0  }
0xb4: {  	s23 =	simm.s32 @!p4 $0x10000;
	[sflag:s8] =	ssyncadd.s32 @!p4 $0xFFFFFFC0;
	s8 =	simm.s32 @!p4 $0x40  }
0xb5: {  	[spmem:s4] =	stream.indirect.scatter.add.f32 @!p4 [tilespmem:s9], [sflag:$0x4], $0x200, s23, s8, $0xb8;
	[tilespmem:$0x15000] =	vst v63  }
0xb6: {  	s8 =	simm.s32 @!p4 $0x4  }
0xb7: {  	s8 =	simm.s32 @p4 $0x3  }
0xb8: {  	_ =	swait.ge [sflag:s8], $0x8000  }
0xb9: {  	s30 =	sadd.s32 $0x1, s30;
	s23 =	rddreg [dreg:$0x6]  }
0xba: {  	p4 =	sne.s32 s23, s30  }
.Ltmp4:
0xbb: {  	_ = 	snop;
	(pc) =	sbr.rel @p4 .LBB2_9-.Ltmp4, $3  }
0xbc: {  	_ =	sdelay $0x1  }
0xbd: {  	s20 =	sadd.s32 $0x800, s20;
	[sflag:s8] =	ssyncset.done $0x0  }
0xbe: {  	s19 =	sadd.s32 $0x20000, s19;
	s31 =	sadd.s32 $0x100, s31;
	[sflag:s8] =	ssyncadd.s32 $0xFFFF8000  }
0xbf: {  	s8 =	simm.s32 @p2 $0x1  }
0xc0: {  	_ =	swait.ge @p2 [sflag:s8], $0x8000  }
0xc1: {  	[sflag:s8] =	ssyncset.done @p2 $0x0  }
0xc2: {  	[sflag:s8] =	ssyncadd.s32 @p2 $0xFFFF8000  }
0xc3: {  	_ =	swait.ge @p2 [sflag:s8], $0x40  }
0xc4: {  	s9 =	simm.s32 @p2 $0x10000;
	[sflag:s8] =	ssyncset.done @p2 $0x0  }
0xc5: {  	s19 =	simm.s32 @p2 $0x0;
	[sflag:s8] =	ssyncadd.s32 @p2 $0xFFFFFFC0;
	s8 =	simm.s32 @p2 $0x40  }
0xc6: {  	[spmem:s4] =	stream.indirect.scatter.add.f32 @p2 [tilespmem:s19], [sflag:$0x4], $0x200, s9, s8, $0xb8;
	[tilespmem:$0x15000] =	vst v63  }
0xc7: {  	s8 =	simm.s32 @!p2 $0x2  }
0xc8: {  	_ =	swait.ge @!p2 [sflag:s8], $0x8000  }
0xc9: {  	[sflag:s8] =	ssyncset.done @!p2 $0x0  }
0xca: {  	[sflag:s8] =	ssyncadd.s32 @!p2 $0xFFFF8000  }
0xcb: {  	_ =	swait.ge @!p2 [sflag:s8], $0x40  }
0xcc: {  	s9 =	simm.s32 @!p2 $0x10080;
	[sflag:s8] =	ssyncset.done @!p2 $0x0  }
0xcd: {  	s19 =	simm.s32 @!p2 $0x8000;
	[sflag:s8] =	ssyncadd.s32 @!p2 $0xFFFFFFC0;
	s8 =	simm.s32 @!p2 $0x40  }
0xce: {  	[spmem:s4] =	stream.indirect.scatter.add.f32 @!p2 [tilespmem:s19], [sflag:$0x3], $0x200, s9, s8, $0xb8;
	[tilespmem:$0x15000] =	vst v63  }
0xcf: {  	s8 =	simm.s32 @!p2 $0x3  }
0xd0: {  	s8 =	simm.s32 @p2 $0x4  }
0xd1: {  	_ =	swait.ge [sflag:s8], $0x8000  }
0xd2: {  	[sflag:s8] =	ssyncset.done $0x0  }
0xd3: {  	s9 =	simm.s32 @!p3 $0x3;
	[sflag:s8] =	ssyncadd.s32 $0xFFFF8000;
	s8 =	simm.s32 @!p3 $0x0  }
0xd4: {  	[tilespmem:s8], [sflag:$0x3] =	stream.linear.gather @!p3 [hbm4b:s12+s8], $0x4000, $0x38;
	[tilespmem:$0x15000] =	vst v63  }
0xd5: {  	_ =	swait.ge @!p3 [sflag:s9], $0x4000  }
0xd6: {  	[sflag:s9] =	ssyncset.done @!p3 $0x0  }
0xd7: {  	s19 =	simm.s32 @!p3 $0x10F80;
	[sflag:s9] =	ssyncadd.s32 @!p3 $0xFFFFC000  }
0xd8: {  	[tilespmem:s19], [sflag:$0x3] =	stream.linear.gather @!p3 [hbm4b:s14+s8], $0x20, $0x38;
	[tilespmem:$0x15000] =	vst v63  }
0xd9: {  	_ =	swait.ge @!p3 [sflag:s9], $0x20  }
0xda: {  	[sflag:s9] =	ssyncset.done @!p3 $0x0  }
0xdb: {  	s20 =	simm.s32 @!p3 $0x20;
	[sflag:s9] =	ssyncadd.s32 @!p3 $0xFFFFFFE0  }
0xdc: {  	[spmem:s4] =	stream.indirect.scatter.add.f32 @!p3 [tilespmem:s8], [sflag:$0x3], $0x200, s19, s20, $0xb8;
	[tilespmem:$0x15000] =	vst v63  }
0xdd: {  	_ =	swait.ge @!p3 [sflag:s9], $0x4000  }
0xde: {  	[sflag:s9] =	ssyncset.done @!p3 $0x0  }
0xdf: {  	[sflag:s9] =	ssyncadd.s32 @!p3 $0xFFFFC000  }
0xe0: {  	s30 =	sor.u32 $0x1C03, s13;
	s31 =	sshrl.u32 s6, $0x3;
	[bflag:$0x0] =	sbarrier.arrive $0xFFFF  }
0xe1: {  	[hbm:s15], [sflag:s30] =	dma.local [spmem:s31], $0x800  }
0xe2: {  	_ =	swait.ge [sflag:s22], $0x800  }
0xe3: {  	s29 =	sadd.s32 $0x1, s29;
	[sflag:s22] =	ssyncset.done $0x0  }
0xe4: {  	p4 =	sne.s32 s29, s17;
	[sflag:s22] =	ssyncadd.s32 $0xFFFFF800  }
0xe5: {  	[hbm4b:s16+s26] =	stream.strided.scatter [tilespmem:s24], [sflag:$0x3], $0x200, s28, s26, $0x38;
	[tilespmem:$0x15000] =	vst v63  }
.Ltmp5:
0xe6: {  	_ = 	snop;
	(pc) =	sbr.rel @p4 .LBB2_1-.Ltmp5, $4  }
.Ltmp6:
0xe7: {  	_ = 	snop;
	(pc) =	sbr.rel @!p4 .LBB2_11-.Ltmp6, $4  }
0xe8: {  	_ =	swait.ge [sflag:s22], $0x200  }
0xe9: {  	[sflag:s22] =	ssyncset.done $0x0  }
0xea: {  	[sflag:s22] =	ssyncadd.s32 $0xFFFFFE00  }
0xeb: {  	_ = 	snop  }
.LBB2_4:
.Ltmp7:
0xec: {  	(pc) =	sbr.rel .LBB2_8-.Ltmp7, $2  }
0xed: {  	_ =	sdelay $0x2  }
0xee: {  	s19 =	smov.u32 s18  }
.LBB2_6:
.Ltmp8:
0xef: {  	(pc) =	sbr.rel .LBB2_8-.Ltmp8, $2  }
0xf0: {  	_ =	sdelay $0x2  }
0xf1: {  	s19 =	smov.u32 s18  }
.LBB2_11:
0xf2: {  	_ =	sfence.sel $0x180000  }
0xf3: {  	[bflag:$0x0] =	sbarrier.arrive $0xFFFF  }
0xf4: {  	_ =	strace $0x90000047  }
0xf5: {  	s0 =	stileid.u32;
	[bflag:$0x2] =	sbarrier.arrive $0xFFFF  }
0xf6: {  	p0 =	sne.s32 s0, $0x0;
	s0 =	rddreg [dreg:$0x5]  }
0xf7: {  	s0 =	sadd.s32 @!p0 $0x100000, s0  }
0xf8: {  	[sflag:s0] =	ssyncadd.tile.s32 @!p0 $0x1;
	_ =	shalt  }
.Lfunc_end2:
_tile_overlayer_lowered:
.L_overlay_start_2:
0xf9: {  	(tag) =	ssettag $0x2  }
0xfa: {  	s0 =	rddreg [dreg:$0x0];
	s2 =	stileid.u32  }
0xfb: {  	s1 =	rddreg [dreg:$0x1];
	p0 =	sne.s32 s2, $0x0  }
0xfc: {  	s3 =	rddreg [dreg:$0x2];
	[bflag:$0x3] =	sbarrier.arrive $0xFFFF;
	s2 =	simm.s32 @!p0 $0x1C03  }
0xfd: {  	[timem:s3], [sflag:s2] =	dma.local @!p0 [hbm:s0], s1  }
0xfe: {  	s0 =	simm.s32 @!p0 $0x3  }
0xff: {  	_ =	swait.ge @!p0 [sflag:s0], s1  }
0x100: {  	s1 =	ssub.s32 @!p0 $0x0, s1;
	[sflag:s0] =	ssyncset.done @!p0 $0x0  }
0x101: {  	[sflag:s0] =	ssyncadd.s32 @!p0 s1  }
0x102: {  	[bflag:$0x3] =	sbarrier.arrive $0xFFFF  }
0x103: {  	_ =	shalt  }

</sc_bundles>
